<compile_context>
chip_gen: v7x
topology: tpu7x:2x2x1
jax: 0.10.2.dev20260603
libtpu: 0.0.44.dev20260713+nightly
codegen_flags: <defaults>
</compile_context>

<pallas_src>
import functools

import jax
import jax.numpy as jnp
from jax import lax
from jax.experimental import pallas as pl
from jax.experimental.pallas import tpu as pltpu
from jax.experimental.pallas import tpu_sc as plsc

_G = 8
_EPS = 1e-5
_BLK = 16384
_SUB = 128


def _stats_tc_kernel(x_ref, idx_ref, wb_ref, st_ref, ab_ref):
    x = x_ref[...]
    idx = idx_ref[0, 0, :]
    nb, c = x.shape
    ni = st_ref.shape[0]
    onehot = (idx[:, None] == lax.broadcasted_iota(jnp.int32, (nb, ni), 1)
              ).astype(jnp.float32)
    buf = jnp.concatenate(
        [x, x * x, jnp.ones((nb, 16), jnp.float32)], axis=1)

    @pl.when(pl.program_id(0) == 0)
    def _():
        st_ref[...] = jnp.zeros_like(st_ref)

    st_ref[...] += lax.dot_general(
        onehot, buf, (((0,), (0,)), ((), ())),
        preferred_element_type=jnp.float32)

    @pl.when(pl.program_id(0) == pl.num_programs(0) - 1)
    def _():
        st = st_ref[...]
        sumx = st[:, :c]
        sumsq = st[:, c:2 * c]
        cnt = st[:, 2 * c:2 * c + 1]
        cpg = c // _G
        denom = jnp.maximum(cnt, 1.0) * cpg
        gsel = (lax.broadcasted_iota(jnp.int32, (c, _G), 0) // cpg
                == lax.broadcasted_iota(jnp.int32, (c, _G), 1)
                ).astype(jnp.float32)
        sum_g = jnp.dot(sumx, gsel, preferred_element_type=jnp.float32)
        sq_g = jnp.dot(sumsq, gsel, preferred_element_type=jnp.float32)
        mean_g = sum_g / denom
        var_g = sq_g / denom - mean_g * mean_g
        rstd_g = lax.rsqrt(var_g + _EPS)
        mean_c = lax.dot_general(mean_g, gsel, (((1,), (1,)), ((), ())),
                                 preferred_element_type=jnp.float32)
        rstd_c = lax.dot_general(rstd_g, gsel, (((1,), (1,)), ((), ())),
                                 preferred_element_type=jnp.float32)
        w = wb_ref[0:1, :]
        b = wb_ref[1:2, :]
        a_coef = rstd_c * w
        b_coef = b - mean_c * a_coef
        ab_ref[...] = jnp.concatenate([a_coef, b_coef], axis=1)


def _apply_sc_kernel(nc, ns, chunks,
                     feat_hbm, idx_hbm, ab_hbm, out_hbm,
                     xb0, xb1, ab0, ab1, iball, tbuf, absh,
                     dsem0, dsem1, gsem0, gsem1, osem0, osem1):
    cid = lax.axis_index("c")
    sid = lax.axis_index("s")
    wid = sid * nc + cid
    base_chunk = wid * chunks

    pltpu.sync_copy(idx_hbm.at[pl.ds(base_chunk, chunks)], iball)

    @pl.when(sid == 0)
    def _():
        pltpu.sync_copy(ab_hbm, tbuf)
        pltpu.sync_copy(tbuf, absh)
    plsc.subcore_barrier()

    def dma_in(k, xb, sem):
        return pltpu.make_async_copy(
            feat_hbm.at[pl.ds((base_chunk + k) * _SUB, _SUB)], xb, sem)

    def dma_out(k, xb, sem):
        return pltpu.make_async_copy(
            xb, out_hbm.at[pl.ds((base_chunk + k) * _SUB, _SUB)], sem)

    def gather(k, ab, sem):
        return pltpu.make_async_copy(absh.at[iball.at[k]], ab, sem)

    def stage(k, xb, ab, dsem, gsem, osem, pxb, pab, pdsem, pgsem, posem):
        @pl.when(k + 1 < chunks)
        def _():
            gather(k + 1, pab, pgsem).start()

        dma_in(k, xb, dsem).wait()
        gather(k, ab, gsem).wait()

        @plsc.parallel_loop(0, _SUB, unroll=4)
        def _(r):
            for j in range(4):
                v = xb[r, pl.ds(16 * j, 16)]
                a = ab[r, pl.ds(16 * j, 16)]
                b = ab[r, pl.ds(64 + 16 * j, 16)]
                xb[r, pl.ds(16 * j, 16)] = v * a + b

        dma_out(k, xb, osem).start()

        @pl.when(k >= 1)
        def _():
            dma_out(k - 1, pxb, posem).wait()

        @pl.when(k + 1 < chunks)
        def _():
            dma_in(k + 1, pxb, pdsem).start()

    dma_in(0, xb0, dsem0).start()
    gather(0, ab0, gsem0).start()

    def pair(kk, carry):
        k0 = 2 * kk
        stage(k0, xb0, ab0, dsem0, gsem0, osem0,
              xb1, ab1, dsem1, gsem1, osem1)
        stage(k0 + 1, xb1, ab1, dsem1, gsem1, osem1,
              xb0, ab0, dsem0, gsem0, osem0)
        return carry
    lax.fori_loop(0, chunks // 2, pair, 0)

    dma_out(chunks - 1, xb1, osem1).wait()


def kernel(features, ins_indices_batch, ins_ids, ins_indices_len, weight, bias):
    n, c = features.shape
    ni = ins_ids.shape[0]
    nblk = n // _BLK
    idx3 = ins_indices_batch.reshape(nblk, 1, _BLK)
    idx2 = ins_indices_batch.reshape(n // _SUB, _SUB)
    sc = 2 * c + 16

    wb = jnp.stack([weight, bias], axis=0)

    _, ab = pl.pallas_call(
        _stats_tc_kernel,
        grid=(nblk,),
        in_specs=[
            pl.BlockSpec((_BLK, c), lambda i: (i, 0)),
            pl.BlockSpec((1, 1, _BLK), lambda i: (i, 0, 0)),
            pl.BlockSpec((2, c), lambda i: (0, 0)),
        ],
        out_specs=[
            pl.BlockSpec((ni, sc), lambda i: (0, 0)),
            pl.BlockSpec((ni, 2 * c), lambda i: (0, 0)),
        ],
        out_shape=[
            jax.ShapeDtypeStruct((ni, sc), jnp.float32),
            jax.ShapeDtypeStruct((ni, 2 * c), jnp.float32),
        ],
        compiler_params=pltpu.CompilerParams(
            dimension_semantics=("arbitrary",)),
    )(features, idx3, wb)

    info = plsc.get_sparse_core_info()
    nc, ns = info.num_cores, info.num_subcores
    nw = nc * ns
    chunks2 = n // (nw * _SUB)
    apply_fn = functools.partial(
        pl.kernel,
        mesh=plsc.VectorSubcoreMesh(core_axis_name="c", subcore_axis_name="s"),
        out_type=jax.ShapeDtypeStruct((n, c), jnp.float32),
        scratch_types=[
            pltpu.VMEM((_SUB, c), jnp.float32),
            pltpu.VMEM((_SUB, c), jnp.float32),
            pltpu.VMEM((_SUB, 2 * c), jnp.float32),
            pltpu.VMEM((_SUB, 2 * c), jnp.float32),
            pltpu.VMEM((chunks2, _SUB), jnp.int32),
            pltpu.VMEM((ni, 2 * c), jnp.float32),
            pltpu.VMEM_SHARED((ni, 2 * c), jnp.float32),
            pltpu.SemaphoreType.DMA,
            pltpu.SemaphoreType.DMA,
            pltpu.SemaphoreType.DMA,
            pltpu.SemaphoreType.DMA,
            pltpu.SemaphoreType.DMA,
            pltpu.SemaphoreType.DMA,
        ],
    )(functools.partial(_apply_sc_kernel, nc, ns, chunks2))
    out = apply_fn(features, idx2, ab)
    return out

# --- scband reference (transcript-rebuilt; emitter-appended) ---
"""Pipeline reference for scband-sparse-ins-gnbnin-36807869727077 (READ-ONLY COPY).

The authoritative reference and input builder live on the scoring server;
editing this copy changes nothing except your own understanding.
"""

import jax, jax.numpy as jnp
import numpy as np

NUM_GROUPS = 8
EPS = 1e-5


def setup_inputs(seed: int = 0) -> dict:
    key = jax.random.key(seed)
    k1, k2, k3, k4 = jax.random.split(key, 4)
    N, C, I = 262144, 64, 16
    features = jax.random.normal(k1, (N, C), dtype=jnp.float32)
    ins_indices_batch = jax.random.randint(k2, (N,), 0, I, dtype=jnp.int32)
    ins_ids = jnp.arange(I, dtype=jnp.int32)
    ins_indices_len = jnp.ones((I,), dtype=jnp.int32)
    # learned GroupNorm affine params (perturbed from default init for nontrivial math)
    weight = 1.0 + 0.1 * jax.random.normal(k3, (C,), dtype=jnp.float32)
    bias = 0.1 * jax.random.normal(k4, (C,), dtype=jnp.float32)
    return {
        "features": features,
        "ins_indices_batch": ins_indices_batch,
        "ins_ids": ins_ids,
        "ins_indices_len": ins_indices_len,
        "weight": weight,
        "bias": bias,
    }


def reference(features, ins_indices_batch, ins_ids, ins_indices_len, weight, bias):
    # Faithful port of SparseInsGNBNIN.forward with norm='InsGN':
    # for each instance id, gather its voxels, apply GroupNorm(num_groups, C)
    # over the [1, C, n_i] tensor, and scatter the result back in place.
    # Instances partition the rows (scatters are disjoint), so the sequential
    # gather/scatter loop equals a per-instance masked GroupNorm over all rows.
    C = features.shape[1]
    g = NUM_GROUPS
    cpg = C // g
    mask = (ins_indices_batch[:, None] == ins_ids[None, :]).astype(features.dtype)  # [N, I]
    counts = jnp.sum(mask, axis=0)                                # [I] voxels per instance
    denom = jnp.maximum(counts, 1.0)[:, None] * cpg               # [I, 1] group-element counts
    sum_ic = mask.T @ features                                    # [I, C]
    mean_ig = jnp.sum(sum_ic.reshape(-1, g, cpg), axis=2) / denom  # [I, g]
    mean_full = jnp.repeat(mean_ig[ins_indices_batch], cpg, axis=1)  # [N, C]
    centered = features - mean_full
    sq_ic = mask.T @ (centered * centered)                        # [I, C]
    var_ig = jnp.sum(sq_ic.reshape(-1, g, cpg), axis=2) / denom   # biased variance, matches torch GroupNorm
    var_full = jnp.repeat(var_ig[ins_indices_batch], cpg, axis=1)  # [N, C]
    xn = centered / jnp.sqrt(var_full + EPS)
    return xn * weight[None, :] + bias[None, :]

if __name__ == "__main__":
    import jax
    _d = setup_inputs()
    print(jax.jit(kernel)(*tuple(_d.values())))

</pallas_src>

<mosaic_0001>
#map = affine_map<(d0, d1) -> (0, 0)>
module attributes {stable_mosaic.version = 14 : i64} {
  func.func @_apply_sc_kernel(%arg0: i32, %arg1: i32, %arg2: memref<262144x64xf32, #tpu.memory_space<hbm>>, %arg3: memref<2048x128xi32, #tpu.memory_space<hbm>>, %arg4: memref<16x128xf32, #tpu.memory_space<hbm>>, %arg5: memref<262144x64xf32, #tpu.memory_space<hbm>>, %arg6: memref<128x64xf32, #tpu.memory_space<vmem>>, %arg7: memref<128x64xf32, #tpu.memory_space<vmem>>, %arg8: memref<128x128xf32, #tpu.memory_space<vmem>>, %arg9: memref<128x128xf32, #tpu.memory_space<vmem>>, %arg10: memref<64x128xi32, #tpu.memory_space<vmem>>, %arg11: memref<16x128xf32, #tpu.memory_space<vmem>>, %arg12: memref<16x128xf32, #tpu.memory_space<vmem_shared>>, %arg13: memref<!tpu.dma_semaphore, #tpu.memory_space<semaphore_mem>>, %arg14: memref<!tpu.dma_semaphore, #tpu.memory_space<semaphore_mem>>, %arg15: memref<!tpu.dma_semaphore, #tpu.memory_space<semaphore_mem>>, %arg16: memref<!tpu.dma_semaphore, #tpu.memory_space<semaphore_mem>>, %arg17: memref<!tpu.dma_semaphore, #tpu.memory_space<semaphore_mem>>, %arg18: memref<!tpu.dma_semaphore, #tpu.memory_space<semaphore_mem>>) attributes {dimension_semantics = [#tpu.dimension_semantics<core_parallel>, #tpu.dimension_semantics<subcore_parallel>], iteration_bounds = array<i64: 2, 16>, scalar_prefetch = 0 : i64, scratch_operands = 13 : i64, tpu.core_type = #tpu.core_type<sc_vector_subcore>, window_params = [{transform_indices = #map}, {transform_indices = #map}, {transform_indices = #map}, {transform_indices = #map}]} {
    %mul3A = arith.constant 2 : i32
    %mul3A_0 = arith.muli %arg1, %mul3A : i32
    %add3A = arith.addi %mul3A_0, %arg0 : i32
    %mul3A_1 = arith.constant 64 : i32
    %mul3A_2 = arith.muli %add3A, %mul3A_1 : i32
    "tpu.region"() ({
      %run_scoped3A = tpu.sem_alloc : memref<!tpu.dma_semaphore, #tpu.memory_space<semaphore_mem>>
      %dma_start3A_31 = arith.constant 0 : i32
      %dma_start3A_32 = tpu.memref_slice %arg3[%mul3A_2, %dma_start3A_31] : memref<2048x128xi32, #tpu.memory_space<hbm>> -> memref<64x128xi32, #tpu.memory_space<hbm>>
      %dma_start3A_33 = arith.constant 0 : i32
      %dma_start3A_34 = tpu.memref_slice %arg3[%mul3A_2, %dma_start3A_33] : memref<2048x128xi32, #tpu.memory_space<hbm>> -> memref<64x128xi32, #tpu.memory_space<hbm>>
      tpu.enqueue_dma source(%dma_start3A_34 : memref<64x128xi32, #tpu.memory_space<hbm>>) target(%arg10 : memref<64x128xi32, #tpu.memory_space<vmem>>) target_semaphore(%run_scoped3A : memref<!tpu.dma_semaphore, #tpu.memory_space<semaphore_mem>>)
      %dma_wait3A_35 = arith.constant 0 : i32
      %dma_wait3A_36 = tpu.memref_slice %arg3[%mul3A_2, %dma_wait3A_35] : memref<2048x128xi32, #tpu.memory_space<hbm>> -> memref<64x128xi32, #tpu.memory_space<hbm>>
      %dma_wait3A_37 = arith.constant 0 : i32
      %dma_wait3A_38 = tpu.memref_slice %arg3[%mul3A_2, %dma_wait3A_37] : memref<2048x128xi32, #tpu.memory_space<hbm>> -> memref<64x128xi32, #tpu.memory_space<hbm>>
      tpu.wait_dma2 semaphore(%run_scoped3A : memref<!tpu.dma_semaphore, #tpu.memory_space<semaphore_mem>>) src(%dma_wait3A_38 : memref<64x128xi32, #tpu.memory_space<hbm>>) dst(%arg10 : memref<64x128xi32, #tpu.memory_space<vmem>>)
      tpu.yield
    }) : () -> ()
    %eq3A = arith.constant 0 : i32
    %eq3A_3 = arith.cmpi eq, %arg1, %eq3A : i32
    %convert_element_type3A = arith.extui %eq3A_3 : i1 to i32
    %cond3A = arith.constant 0 : i32
    %cond3A_4 = arith.cmpi ne, %convert_element_type3A, %cond3A : i32
    scf.if %cond3A_4 {
      "tpu.region"() ({
        %run_scoped3A = tpu.sem_alloc : memref<!tpu.dma_semaphore, #tpu.memory_space<semaphore_mem>>
        tpu.enqueue_dma source(%arg4 : memref<16x128xf32, #tpu.memory_space<hbm>>) target(%arg11 : memref<16x128xf32, #tpu.memory_space<vmem>>) target_semaphore(%run_scoped3A : memref<!tpu.dma_semaphore, #tpu.memory_space<semaphore_mem>>)
        tpu.wait_dma2 semaphore(%run_scoped3A : memref<!tpu.dma_semaphore, #tpu.memory_space<semaphore_mem>>) src(%arg4 : memref<16x128xf32, #tpu.memory_space<hbm>>) dst(%arg11 : memref<16x128xf32, #tpu.memory_space<vmem>>)
        tpu.yield
      }) : () -> ()
      "tpu.region"() ({
        %run_scoped3A = tpu.sem_alloc : memref<!tpu.dma_semaphore, #tpu.memory_space<semaphore_mem>>
        tpu.enqueue_dma source(%arg11 : memref<16x128xf32, #tpu.memory_space<vmem>>) target(%arg12 : memref<16x128xf32, #tpu.memory_space<vmem_shared>>) target_semaphore(%run_scoped3A : memref<!tpu.dma_semaphore, #tpu.memory_space<semaphore_mem>>)
        tpu.wait_dma2 semaphore(%run_scoped3A : memref<!tpu.dma_semaphore, #tpu.memory_space<semaphore_mem>>) src(%arg11 : memref<16x128xf32, #tpu.memory_space<vmem>>) dst(%arg12 : memref<16x128xf32, #tpu.memory_space<vmem_shared>>)
        tpu.yield
      }) : () -> ()
    } else {
    }
    %barrier3A = arith.constant 0 : index
    tpu.barrier barrier_id(%barrier3A)
    %add3A_5 = arith.constant 0 : i32
    %add3A_6 = arith.addi %mul3A_2, %add3A_5 : i32
    %mul3A_7 = arith.constant 128 : i32
    %mul3A_8 = arith.muli %add3A_6, %mul3A_7 : i32
    %dma_start3A = arith.constant 0 : i32
    %dma_start3A_9 = tpu.memref_slice %arg2[%mul3A_8, %dma_start3A] : memref<262144x64xf32, #tpu.memory_space<hbm>> -> memref<128x64xf32, #tpu.memory_space<hbm>>
    %dma_start3A_10 = arith.constant 0 : i32
    %dma_start3A_11 = tpu.memref_slice %arg2[%mul3A_8, %dma_start3A_10] : memref<262144x64xf32, #tpu.memory_space<hbm>> -> memref<128x64xf32, #tpu.memory_space<hbm>>
    tpu.enqueue_dma source(%dma_start3A_11 : memref<128x64xf32, #tpu.memory_space<hbm>>) target(%arg6 : memref<128x64xf32, #tpu.memory_space<vmem>>) target_semaphore(%arg13 : memref<!tpu.dma_semaphore, #tpu.memory_space<semaphore_mem>>)
    %dma_start3A_12 = arith.constant 0 : i32
    %dma_start3A_13 = arith.constant 0 : i32
    %dma_start3A_14 = tpu.memref_slice %arg10[%dma_start3A_12, %dma_start3A_13] : memref<64x128xi32, #tpu.memory_space<vmem>> -> memref<1x128xi32, #tpu.memory_space<vmem>>
    %dma_start3A_15 = tpu.memref_squeeze %dma_start3A_14 : memref<1x128xi32, #tpu.memory_space<vmem>> -> memref<128xi32, #tpu.memory_space<vmem>>
    %dma_start3A_16 = arith.constant 0 : i32
    %dma_start3A_17 = arith.constant 0 : i32
    %dma_start3A_18 = tpu.memref_slice %arg12[%dma_start3A_16, %dma_start3A_17] : memref<16x128xf32, #tpu.memory_space<vmem_shared>> -> memref<16x128xf32, #tpu.memory_space<vmem_shared>>
    tpu.enqueue_indirect_dma source(%dma_start3A_18 : memref<16x128xf32, #tpu.memory_space<vmem_shared>>) target(%arg8 : memref<128x128xf32, #tpu.memory_space<vmem>>) offsets(%dma_start3A_15 : memref<128xi32, #tpu.memory_space<vmem>>) semaphore(%arg15 : memref<!tpu.dma_semaphore, #tpu.memory_space<semaphore_mem>>)
    %scan3A = arith.constant 0 : i32
    %scan3A_19 = arith.constant 0 : i32
    %scan3A_20 = arith.constant 32 : i32
    %scan3A_21 = arith.addi %scan3A_19, %scan3A_20 : i32
    %scan3A_22 = arith.constant 1 : i32
    scf.for %scan3A_31 = %scan3A_19 to %scan3A_21 step %scan3A_22  : i32 {
      %mul3A_32 = arith.constant 2 : i32
      %mul3A_33 = arith.muli %mul3A_32, %scan3A_31 : i32
      %add3A_34 = arith.constant 1 : i32
      %add3A_35 = arith.addi %mul3A_33, %add3A_34 : i32
      %lt3A = arith.constant 64 : i32
      %lt3A_36 = arith.cmpi slt, %add3A_35, %lt3A : i32
      %convert_element_type3A_37 = arith.extui %lt3A_36 : i1 to i32
      %cond3A_38 = arith.constant 0 : i32
      %cond3A_39 = arith.cmpi ne, %convert_element_type3A_37, %cond3A_38 : i32
      scf.if %cond3A_39 {
        %add3A_117 = arith.constant 1 : i32
        %add3A_118 = arith.addi %mul3A_33, %add3A_117 : i32
        %dma_start3A_119 = arith.constant 0 : i32
        %dma_start3A_120 = tpu.memref_slice %arg10[%add3A_118, %dma_start3A_119] : memref<64x128xi32, #tpu.memory_space<vmem>> -> memref<1x128xi32, #tpu.memory_space<vmem>>
        %dma_start3A_121 = tpu.memref_squeeze %dma_start3A_120 : memref<1x128xi32, #tpu.memory_space<vmem>> -> memref<128xi32, #tpu.memory_space<vmem>>
        %dma_start3A_122 = arith.constant 0 : i32
        %dma_start3A_123 = arith.constant 0 : i32
        %dma_start3A_124 = tpu.memref_slice %arg12[%dma_start3A_122, %dma_start3A_123] : memref<16x128xf32, #tpu.memory_space<vmem_shared>> -> memref<16x128xf32, #tpu.memory_space<vmem_shared>>
        tpu.enqueue_indirect_dma source(%dma_start3A_124 : memref<16x128xf32, #tpu.memory_space<vmem_shared>>) target(%arg9 : memref<128x128xf32, #tpu.memory_space<vmem>>) offsets(%dma_start3A_121 : memref<128xi32, #tpu.memory_space<vmem>>) semaphore(%arg16 : memref<!tpu.dma_semaphore, #tpu.memory_space<semaphore_mem>>)
      } else {
      }
      %add3A_40 = arith.addi %mul3A_2, %mul3A_33 : i32
      %mul3A_41 = arith.constant 128 : i32
      %mul3A_42 = arith.muli %add3A_40, %mul3A_41 : i32
      %dma_wait3A_43 = arith.constant 0 : i32
      %dma_wait3A_44 = tpu.memref_slice %arg2[%mul3A_42, %dma_wait3A_43] : memref<262144x64xf32, #tpu.memory_space<hbm>> -> memref<128x64xf32, #tpu.memory_space<hbm>>
      %dma_wait3A_45 = arith.constant 0 : i32
      %dma_wait3A_46 = tpu.memref_slice %arg2[%mul3A_42, %dma_wait3A_45] : memref<262144x64xf32, #tpu.memory_space<hbm>> -> memref<128x64xf32, #tpu.memory_space<hbm>>
      tpu.wait_dma2 semaphore(%arg13 : memref<!tpu.dma_semaphore, #tpu.memory_space<semaphore_mem>>) src(%dma_wait3A_46 : memref<128x64xf32, #tpu.memory_space<hbm>>) dst(%arg6 : memref<128x64xf32, #tpu.memory_space<vmem>>)
      %dma_wait3A_47 = arith.constant 0 : i32
      %dma_wait3A_48 = tpu.memref_slice %arg10[%mul3A_33, %dma_wait3A_47] : memref<64x128xi32, #tpu.memory_space<vmem>> -> memref<1x128xi32, #tpu.memory_space<vmem>>
      %dma_wait3A_49 = tpu.memref_squeeze %dma_wait3A_48 : memref<1x128xi32, #tpu.memory_space<vmem>> -> memref<128xi32, #tpu.memory_space<vmem>>
      %dma_wait3A_50 = arith.constant 0 : i32
      %dma_wait3A_51 = arith.constant 0 : i32
      %dma_wait3A_52 = tpu.memref_slice %arg12[%dma_wait3A_50, %dma_wait3A_51] : memref<16x128xf32, #tpu.memory_space<vmem_shared>> -> memref<16x128xf32, #tpu.memory_space<vmem_shared>>
      tpu.wait_indirect_dma semaphore(%arg15 : memref<!tpu.dma_semaphore, #tpu.memory_space<semaphore_mem>>) src(%dma_wait3A_52 : memref<16x128xf32, #tpu.memory_space<vmem_shared>>) dst(%arg8 : memref<128x128xf32, #tpu.memory_space<vmem>>)
      %parallel_loop3A = arith.constant 0 : i32
      %parallel_loop3A_53 = arith.constant 128 : i32
      %parallel_loop3A_54 = arith.constant 1 : i32
      scf.for %parallel_loop3A_117 = %parallel_loop3A to %parallel_loop3A_53 step %parallel_loop3A_54  : i32 {
        %parallel_loop3A_118 = arith.index_cast %parallel_loop3A_117 : i32 to index
        %parallel_loop3A_119 = arith.constant 0 : index
        %parallel_loop3A_120 = tpu.vector_load %arg6[%parallel_loop3A_118, %parallel_loop3A_119] {strides = array<i32>} : memref<128x64xf32, #tpu.memory_space<vmem>>, vector<1x16xf32>,
        %parallel_loop3A_121 = vector.shape_cast %parallel_loop3A_120 : vector<1x16xf32> to vector<16xf32>
        %parallel_loop3A_122 = arith.index_cast %parallel_loop3A_117 : i32 to index
        %parallel_loop3A_123 = arith.constant 0 : index
        %parallel_loop3A_124 = tpu.vector_load %arg8[%parallel_loop3A_122, %parallel_loop3A_123] {strides = array<i32>} : memref<128x128xf32, #tpu.memory_space<vmem>>, vector<1x16xf32>,
        %parallel_loop3A_125 = vector.shape_cast %parallel_loop3A_124 : vector<1x16xf32> to vector<16xf32>
        %parallel_loop3A_126 = arith.index_cast %parallel_loop3A_117 : i32 to index
        %parallel_loop3A_127 = arith.constant 64 : index
        %parallel_loop3A_128 = tpu.vector_load %arg8[%parallel_loop3A_126, %parallel_loop3A_127] {strides = array<i32>} : memref<128x128xf32, #tpu.memory_space<vmem>>, vector<1x16xf32>,
        %parallel_loop3A_129 = vector.shape_cast %parallel_loop3A_128 : vector<1x16xf32> to vector<16xf32>
        %parallel_loop3A_130 = arith.mulf %parallel_loop3A_121, %parallel_loop3A_125 : vector<16xf32>
        %parallel_loop3A_131 = arith.addf %parallel_loop3A_130, %parallel_loop3A_129 : vector<16xf32>
        %parallel_loop3A_132 = arith.index_cast %parallel_loop3A_117 : i32 to index
        %parallel_loop3A_133 = arith.constant 0 : index
        %parallel_loop3A_134 = tpu.vector_load %arg6[%parallel_loop3A_132, %parallel_loop3A_133] {strides = array<i32>} : memref<128x64xf32, #tpu.memory_space<vmem>>, vector<1x16xf32>,
        %parallel_loop3A_135 = vector.shape_cast %parallel_loop3A_134 : vector<1x16xf32> to vector<16xf32>
        %parallel_loop3A_136 = vector.shape_cast %parallel_loop3A_131 : vector<16xf32> to vector<1x16xf32>
        tpu.vector_store %arg6[%parallel_loop3A_132, %parallel_loop3A_133], %parallel_loop3A_136 {strides = array<i32>} : memref<128x64xf32, #tpu.memory_space<vmem>>, vector<1x16xf32>,
        %parallel_loop3A_137 = arith.index_cast %parallel_loop3A_117 : i32 to index
        %parallel_loop3A_138 = arith.constant 16 : index
        %parallel_loop3A_139 = tpu.vector_load %arg6[%parallel_loop3A_137, %parallel_loop3A_138] {strides = array<i32>} : memref<128x64xf32, #tpu.memory_space<vmem>>, vector<1x16xf32>,
        %parallel_loop3A_140 = vector.shape_cast %parallel_loop3A_139 : vector<1x16xf32> to vector<16xf32>
        %parallel_loop3A_141 = arith.index_cast %parallel_loop3A_117 : i32 to index
        %parallel_loop3A_142 = arith.constant 16 : index
        %parallel_loop3A_143 = tpu.vector_load %arg8[%parallel_loop3A_141, %parallel_loop3A_142] {strides = array<i32>} : memref<128x128xf32, #tpu.memory_space<vmem>>, vector<1x16xf32>,
        %parallel_loop3A_144 = vector.shape_cast %parallel_loop3A_143 : vector<1x16xf32> to vector<16xf32>
        %parallel_loop3A_145 = arith.index_cast %parallel_loop3A_117 : i32 to index
        %parallel_loop3A_146 = arith.constant 80 : index
        %parallel_loop3A_147 = tpu.vector_load %arg8[%parallel_loop3A_145, %parallel_loop3A_146] {strides = array<i32>} : memref<128x128xf32, #tpu.memory_space<vmem>>, vector<1x16xf32>,
        %parallel_loop3A_148 = vector.shape_cast %parallel_loop3A_147 : vector<1x16xf32> to vector<16xf32>
        %parallel_loop3A_149 = arith.mulf %parallel_loop3A_140, %parallel_loop3A_144 : vector<16xf32>
        %parallel_loop3A_150 = arith.addf %parallel_loop3A_149, %parallel_loop3A_148 : vector<16xf32>
        %parallel_loop3A_151 = arith.index_cast %parallel_loop3A_117 : i32 to index
        %parallel_loop3A_152 = arith.constant 16 : index
        %parallel_loop3A_153 = tpu.vector_load %arg6[%parallel_loop3A_151, %parallel_loop3A_152] {strides = array<i32>} : memref<128x64xf32, #tpu.memory_space<vmem>>, vector<1x16xf32>,
        %parallel_loop3A_154 = vector.shape_cast %parallel_loop3A_153 : vector<1x16xf32> to vector<16xf32>
        %parallel_loop3A_155 = vector.shape_cast %parallel_loop3A_150 : vector<16xf32> to vector<1x16xf32>
        tpu.vector_store %arg6[%parallel_loop3A_151, %parallel_loop3A_152], %parallel_loop3A_155 {strides = array<i32>} : memref<128x64xf32, #tpu.memory_space<vmem>>, vector<1x16xf32>,
        %parallel_loop3A_156 = arith.index_cast %parallel_loop3A_117 : i32 to index
        %parallel_loop3A_157 = arith.constant 32 : index
        %parallel_loop3A_158 = tpu.vector_load %arg6[%parallel_loop3A_156, %parallel_loop3A_157] {strides = array<i32>} : memref<128x64xf32, #tpu.memory_space<vmem>>, vector<1x16xf32>,
        %parallel_loop3A_159 = vector.shape_cast %parallel_loop3A_158 : vector<1x16xf32> to vector<16xf32>
        %parallel_loop3A_160 = arith.index_cast %parallel_loop3A_117 : i32 to index
        %parallel_loop3A_161 = arith.constant 32 : index
        %parallel_loop3A_162 = tpu.vector_load %arg8[%parallel_loop3A_160, %parallel_loop3A_161] {strides = array<i32>} : memref<128x128xf32, #tpu.memory_space<vmem>>, vector<1x16xf32>,
        %parallel_loop3A_163 = vector.shape_cast %parallel_loop3A_162 : vector<1x16xf32> to vector<16xf32>
        %parallel_loop3A_164 = arith.index_cast %parallel_loop3A_117 : i32 to index
        %parallel_loop3A_165 = arith.constant 96 : index
        %parallel_loop3A_166 = tpu.vector_load %arg8[%parallel_loop3A_164, %parallel_loop3A_165] {strides = array<i32>} : memref<128x128xf32, #tpu.memory_space<vmem>>, vector<1x16xf32>,
        %parallel_loop3A_167 = vector.shape_cast %parallel_loop3A_166 : vector<1x16xf32> to vector<16xf32>
        %parallel_loop3A_168 = arith.mulf %parallel_loop3A_159, %parallel_loop3A_163 : vector<16xf32>
        %parallel_loop3A_169 = arith.addf %parallel_loop3A_168, %parallel_loop3A_167 : vector<16xf32>
        %parallel_loop3A_170 = arith.index_cast %parallel_loop3A_117 : i32 to index
        %parallel_loop3A_171 = arith.constant 32 : index
        %parallel_loop3A_172 = tpu.vector_load %arg6[%parallel_loop3A_170, %parallel_loop3A_171] {strides = array<i32>} : memref<128x64xf32, #tpu.memory_space<vmem>>, vector<1x16xf32>,
        %parallel_loop3A_173 = vector.shape_cast %parallel_loop3A_172 : vector<1x16xf32> to vector<16xf32>
        %parallel_loop3A_174 = vector.shape_cast %parallel_loop3A_169 : vector<16xf32> to vector<1x16xf32>
        tpu.vector_store %arg6[%parallel_loop3A_170, %parallel_loop3A_171], %parallel_loop3A_174 {strides = array<i32>} : memref<128x64xf32, #tpu.memory_space<vmem>>, vector<1x16xf32>,
        %parallel_loop3A_175 = arith.index_cast %parallel_loop3A_117 : i32 to index
        %parallel_loop3A_176 = arith.constant 48 : index
        %parallel_loop3A_177 = tpu.vector_load %arg6[%parallel_loop3A_175, %parallel_loop3A_176] {strides = array<i32>} : memref<128x64xf32, #tpu.memory_space<vmem>>, vector<1x16xf32>,
        %parallel_loop3A_178 = vector.shape_cast %parallel_loop3A_177 : vector<1x16xf32> to vector<16xf32>
        %parallel_loop3A_179 = arith.index_cast %parallel_loop3A_117 : i32 to index
        %parallel_loop3A_180 = arith.constant 48 : index
        %parallel_loop3A_181 = tpu.vector_load %arg8[%parallel_loop3A_179, %parallel_loop3A_180] {strides = array<i32>} : memref<128x128xf32, #tpu.memory_space<vmem>>, vector<1x16xf32>,
        %parallel_loop3A_182 = vector.shape_cast %parallel_loop3A_181 : vector<1x16xf32> to vector<16xf32>
        %parallel_loop3A_183 = arith.index_cast %parallel_loop3A_117 : i32 to index
        %parallel_loop3A_184 = arith.constant 112 : index
        %parallel_loop3A_185 = tpu.vector_load %arg8[%parallel_loop3A_183, %parallel_loop3A_184] {strides = array<i32>} : memref<128x128xf32, #tpu.memory_space<vmem>>, vector<1x16xf32>,
        %parallel_loop3A_186 = vector.shape_cast %parallel_loop3A_185 : vector<1x16xf32> to vector<16xf32>
        %parallel_loop3A_187 = arith.mulf %parallel_loop3A_178, %parallel_loop3A_182 : vector<16xf32>
        %parallel_loop3A_188 = arith.addf %parallel_loop3A_187, %parallel_loop3A_186 : vector<16xf32>
        %parallel_loop3A_189 = arith.index_cast %parallel_loop3A_117 : i32 to index
        %parallel_loop3A_190 = arith.constant 48 : index
        %parallel_loop3A_191 = tpu.vector_load %arg6[%parallel_loop3A_189, %parallel_loop3A_190] {strides = array<i32>} : memref<128x64xf32, #tpu.memory_space<vmem>>, vector<1x16xf32>,
        %parallel_loop3A_192 = vector.shape_cast %parallel_loop3A_191 : vector<1x16xf32> to vector<16xf32>
        %parallel_loop3A_193 = vector.shape_cast %parallel_loop3A_188 : vector<16xf32> to vector<1x16xf32>
        tpu.vector_store %arg6[%parallel_loop3A_189, %parallel_loop3A_190], %parallel_loop3A_193 {strides = array<i32>} : memref<128x64xf32, #tpu.memory_space<vmem>>, vector<1x16xf32>,
      } {sc.loop_unroll_factor = 4 : i64, sc.parallel_access}
      %add3A_55 = arith.addi %mul3A_2, %mul3A_33 : i32
      %mul3A_56 = arith.constant 128 : i32
      %mul3A_57 = arith.muli %add3A_55, %mul3A_56 : i32
      %dma_start3A_58 = arith.constant 0 : i32
      %dma_start3A_59 = tpu.memref_slice %arg5[%mul3A_57, %dma_start3A_58] : memref<262144x64xf32, #tpu.memory_space<hbm>> -> memref<128x64xf32, #tpu.memory_space<hbm>>
      %dma_start3A_60 = arith.constant 0 : i32
      %dma_start3A_61 = tpu.memref_slice %arg5[%mul3A_57, %dma_start3A_60] : memref<262144x64xf32, #tpu.memory_space<hbm>> -> memref<128x64xf32, #tpu.memory_space<hbm>>
      tpu.enqueue_dma source(%arg6 : memref<128x64xf32, #tpu.memory_space<vmem>>) target(%dma_start3A_61 : memref<128x64xf32, #tpu.memory_space<hbm>>) target_semaphore(%arg17 : memref<!tpu.dma_semaphore, #tpu.memory_space<semaphore_mem>>)
      %ge3A = arith.constant 1 : i32
      %ge3A_62 = arith.cmpi sge, %mul3A_33, %ge3A : i32
      %convert_element_type3A_63 = arith.extui %ge3A_62 : i1 to i32
      %cond3A_64 = arith.constant 0 : i32
      %cond3A_65 = arith.cmpi ne, %convert_element_type3A_63, %cond3A_64 : i32
      scf.if %cond3A_65 {
        %sub3A = arith.constant 1 : i32
        %sub3A_117 = arith.subi %mul3A_33, %sub3A : i32
        %add3A_118 = arith.addi %mul3A_2, %sub3A_117 : i32
        %mul3A_119 = arith.constant 128 : i32
        %mul3A_120 = arith.muli %add3A_118, %mul3A_119 : i32
        %dma_wait3A_121 = arith.constant 0 : i32
        %dma_wait3A_122 = tpu.memref_slice %arg5[%mul3A_120, %dma_wait3A_121] : memref<262144x64xf32, #tpu.memory_space<hbm>> -> memref<128x64xf32, #tpu.memory_space<hbm>>
        %dma_wait3A_123 = arith.constant 0 : i32
        %dma_wait3A_124 = tpu.memref_slice %arg5[%mul3A_120, %dma_wait3A_123] : memref<262144x64xf32, #tpu.memory_space<hbm>> -> memref<128x64xf32, #tpu.memory_space<hbm>>
        tpu.wait_dma2 semaphore(%arg18 : memref<!tpu.dma_semaphore, #tpu.memory_space<semaphore_mem>>) src(%arg7 : memref<128x64xf32, #tpu.memory_space<vmem>>) dst(%dma_wait3A_124 : memref<128x64xf32, #tpu.memory_space<hbm>>)
      } else {
      }
      %add3A_66 = arith.constant 1 : i32
      %add3A_67 = arith.addi %mul3A_33, %add3A_66 : i32
      %lt3A_68 = arith.constant 64 : i32
      %lt3A_69 = arith.cmpi slt, %add3A_67, %lt3A_68 : i32
      %convert_element_type3A_70 = arith.extui %lt3A_69 : i1 to i32
      %cond3A_71 = arith.constant 0 : i32
      %cond3A_72 = arith.cmpi ne, %convert_element_type3A_70, %cond3A_71 : i32
      scf.if %cond3A_72 {
        %add3A_117 = arith.constant 1 : i32
        %add3A_118 = arith.addi %mul3A_33, %add3A_117 : i32
        %add3A_119 = arith.addi %mul3A_2, %add3A_118 : i32
        %mul3A_120 = arith.constant 128 : i32
        %mul3A_121 = arith.muli %add3A_119, %mul3A_120 : i32
        %dma_start3A_122 = arith.constant 0 : i32
        %dma_start3A_123 = tpu.memref_slice %arg2[%mul3A_121, %dma_start3A_122] : memref<262144x64xf32, #tpu.memory_space<hbm>> -> memref<128x64xf32, #tpu.memory_space<hbm>>
        %dma_start3A_124 = arith.constant 0 : i32
        %dma_start3A_125 = tpu.memref_slice %arg2[%mul3A_121, %dma_start3A_124] : memref<262144x64xf32, #tpu.memory_space<hbm>> -> memref<128x64xf32, #tpu.memory_space<hbm>>
        tpu.enqueue_dma source(%dma_start3A_125 : memref<128x64xf32, #tpu.memory_space<hbm>>) target(%arg7 : memref<128x64xf32, #tpu.memory_space<vmem>>) target_semaphore(%arg14 : memref<!tpu.dma_semaphore, #tpu.memory_space<semaphore_mem>>)
      } else {
      }
      %add3A_73 = arith.constant 1 : i32
      %add3A_74 = arith.addi %mul3A_33, %add3A_73 : i32
      %add3A_75 = arith.constant 1 : i32
      %add3A_76 = arith.addi %add3A_74, %add3A_75 : i32
      %lt3A_77 = arith.constant 64 : i32
      %lt3A_78 = arith.cmpi slt, %add3A_76, %lt3A_77 : i32
      %convert_element_type3A_79 = arith.extui %lt3A_78 : i1 to i32
      %cond3A_80 = arith.constant 0 : i32
      %cond3A_81 = arith.cmpi ne, %convert_element_type3A_79, %cond3A_80 : i32
      scf.if %cond3A_81 {
        %add3A_117 = arith.constant 1 : i32
        %add3A_118 = arith.addi %add3A_74, %add3A_117 : i32
        %dma_start3A_119 = arith.constant 0 : i32
        %dma_start3A_120 = tpu.memref_slice %arg10[%add3A_118, %dma_start3A_119] : memref<64x128xi32, #tpu.memory_space<vmem>> -> memref<1x128xi32, #tpu.memory_space<vmem>>
        %dma_start3A_121 = tpu.memref_squeeze %dma_start3A_120 : memref<1x128xi32, #tpu.memory_space<vmem>> -> memref<128xi32, #tpu.memory_space<vmem>>
        %dma_start3A_122 = arith.constant 0 : i32
        %dma_start3A_123 = arith.constant 0 : i32
        %dma_start3A_124 = tpu.memref_slice %arg12[%dma_start3A_122, %dma_start3A_123] : memref<16x128xf32, #tpu.memory_space<vmem_shared>> -> memref<16x128xf32, #tpu.memory_space<vmem_shared>>
        tpu.enqueue_indirect_dma source(%dma_start3A_124 : memref<16x128xf32, #tpu.memory_space<vmem_shared>>) target(%arg8 : memref<128x128xf32, #tpu.memory_space<vmem>>) offsets(%dma_start3A_121 : memref<128xi32, #tpu.memory_space<vmem>>) semaphore(%arg15 : memref<!tpu.dma_semaphore, #tpu.memory_space<semaphore_mem>>)
      } else {
      }
      %add3A_82 = arith.addi %mul3A_2, %add3A_74 : i32
      %mul3A_83 = arith.constant 128 : i32
      %mul3A_84 = arith.muli %add3A_82, %mul3A_83 : i32
      %dma_wait3A_85 = arith.constant 0 : i32
      %dma_wait3A_86 = tpu.memref_slice %arg2[%mul3A_84, %dma_wait3A_85] : memref<262144x64xf32, #tpu.memory_space<hbm>> -> memref<128x64xf32, #tpu.memory_space<hbm>>
      %dma_wait3A_87 = arith.constant 0 : i32
      %dma_wait3A_88 = tpu.memref_slice %arg2[%mul3A_84, %dma_wait3A_87] : memref<262144x64xf32, #tpu.memory_space<hbm>> -> memref<128x64xf32, #tpu.memory_space<hbm>>
      tpu.wait_dma2 semaphore(%arg14 : memref<!tpu.dma_semaphore, #tpu.memory_space<semaphore_mem>>) src(%dma_wait3A_88 : memref<128x64xf32, #tpu.memory_space<hbm>>) dst(%arg7 : memref<128x64xf32, #tpu.memory_space<vmem>>)
      %dma_wait3A_89 = arith.constant 0 : i32
      %dma_wait3A_90 = tpu.memref_slice %arg10[%add3A_74, %dma_wait3A_89] : memref<64x128xi32, #tpu.memory_space<vmem>> -> memref<1x128xi32, #tpu.memory_space<vmem>>
      %dma_wait3A_91 = tpu.memref_squeeze %dma_wait3A_90 : memref<1x128xi32, #tpu.memory_space<vmem>> -> memref<128xi32, #tpu.memory_space<vmem>>
      %dma_wait3A_92 = arith.constant 0 : i32
      %dma_wait3A_93 = arith.constant 0 : i32
      %dma_wait3A_94 = tpu.memref_slice %arg12[%dma_wait3A_92, %dma_wait3A_93] : memref<16x128xf32, #tpu.memory_space<vmem_shared>> -> memref<16x128xf32, #tpu.memory_space<vmem_shared>>
      tpu.wait_indirect_dma semaphore(%arg16 : memref<!tpu.dma_semaphore, #tpu.memory_space<semaphore_mem>>) src(%dma_wait3A_94 : memref<16x128xf32, #tpu.memory_space<vmem_shared>>) dst(%arg9 : memref<128x128xf32, #tpu.memory_space<vmem>>)
      %parallel_loop3A_95 = arith.constant 0 : i32
      %parallel_loop3A_96 = arith.constant 128 : i32
      %parallel_loop3A_97 = arith.constant 1 : i32
      scf.for %parallel_loop3A_117 = %parallel_loop3A_95 to %parallel_loop3A_96 step %parallel_loop3A_97  : i32 {
        %parallel_loop3A_118 = arith.index_cast %parallel_loop3A_117 : i32 to index
        %parallel_loop3A_119 = arith.constant 0 : index
        %parallel_loop3A_120 = tpu.vector_load %arg7[%parallel_loop3A_118, %parallel_loop3A_119] {strides = array<i32>} : memref<128x64xf32, #tpu.memory_space<vmem>>, vector<1x16xf32>,
        %parallel_loop3A_121 = vector.shape_cast %parallel_loop3A_120 : vector<1x16xf32> to vector<16xf32>
        %parallel_loop3A_122 = arith.index_cast %parallel_loop3A_117 : i32 to index
        %parallel_loop3A_123 = arith.constant 0 : index
        %parallel_loop3A_124 = tpu.vector_load %arg9[%parallel_loop3A_122, %parallel_loop3A_123] {strides = array<i32>} : memref<128x128xf32, #tpu.memory_space<vmem>>, vector<1x16xf32>,
        %parallel_loop3A_125 = vector.shape_cast %parallel_loop3A_124 : vector<1x16xf32> to vector<16xf32>
        %parallel_loop3A_126 = arith.index_cast %parallel_loop3A_117 : i32 to index
        %parallel_loop3A_127 = arith.constant 64 : index
        %parallel_loop3A_128 = tpu.vector_load %arg9[%parallel_loop3A_126, %parallel_loop3A_127] {strides = array<i32>} : memref<128x128xf32, #tpu.memory_space<vmem>>, vector<1x16xf32>,
        %parallel_loop3A_129 = vector.shape_cast %parallel_loop3A_128 : vector<1x16xf32> to vector<16xf32>
        %parallel_loop3A_130 = arith.mulf %parallel_loop3A_121, %parallel_loop3A_125 : vector<16xf32>
        %parallel_loop3A_131 = arith.addf %parallel_loop3A_130, %parallel_loop3A_129 : vector<16xf32>
        %parallel_loop3A_132 = arith.index_cast %parallel_loop3A_117 : i32 to index
        %parallel_loop3A_133 = arith.constant 0 : index
        %parallel_loop3A_134 = tpu.vector_load %arg7[%parallel_loop3A_132, %parallel_loop3A_133] {strides = array<i32>} : memref<128x64xf32, #tpu.memory_space<vmem>>, vector<1x16xf32>,
        %parallel_loop3A_135 = vector.shape_cast %parallel_loop3A_134 : vector<1x16xf32> to vector<16xf32>
        %parallel_loop3A_136 = vector.shape_cast %parallel_loop3A_131 : vector<16xf32> to vector<1x16xf32>
        tpu.vector_store %arg7[%parallel_loop3A_132, %parallel_loop3A_133], %parallel_loop3A_136 {strides = array<i32>} : memref<128x64xf32, #tpu.memory_space<vmem>>, vector<1x16xf32>,
        %parallel_loop3A_137 = arith.index_cast %parallel_loop3A_117 : i32 to index
        %parallel_loop3A_138 = arith.constant 16 : index
        %parallel_loop3A_139 = tpu.vector_load %arg7[%parallel_loop3A_137, %parallel_loop3A_138] {strides = array<i32>} : memref<128x64xf32, #tpu.memory_space<vmem>>, vector<1x16xf32>,
        %parallel_loop3A_140 = vector.shape_cast %parallel_loop3A_139 : vector<1x16xf32> to vector<16xf32>
        %parallel_loop3A_141 = arith.index_cast %parallel_loop3A_117 : i32 to index
        %parallel_loop3A_142 = arith.constant 16 : index
        %parallel_loop3A_143 = tpu.vector_load %arg9[%parallel_loop3A_141, %parallel_loop3A_142] {strides = array<i32>} : memref<128x128xf32, #tpu.memory_space<vmem>>, vector<1x16xf32>,
        %parallel_loop3A_144 = vector.shape_cast %parallel_loop3A_143 : vector<1x16xf32> to vector<16xf32>
        %parallel_loop3A_145 = arith.index_cast %parallel_loop3A_117 : i32 to index
        %parallel_loop3A_146 = arith.constant 80 : index
        %parallel_loop3A_147 = tpu.vector_load %arg9[%parallel_loop3A_145, %parallel_loop3A_146] {strides = array<i32>} : memref<128x128xf32, #tpu.memory_space<vmem>>, vector<1x16xf32>,
        %parallel_loop3A_148 = vector.shape_cast %parallel_loop3A_147 : vector<1x16xf32> to vector<16xf32>
        %parallel_loop3A_149 = arith.mulf %parallel_loop3A_140, %parallel_loop3A_144 : vector<16xf32>
        %parallel_loop3A_150 = arith.addf %parallel_loop3A_149, %parallel_loop3A_148 : vector<16xf32>
        %parallel_loop3A_151 = arith.index_cast %parallel_loop3A_117 : i32 to index
        %parallel_loop3A_152 = arith.constant 16 : index
        %parallel_loop3A_153 = tpu.vector_load %arg7[%parallel_loop3A_151, %parallel_loop3A_152] {strides = array<i32>} : memref<128x64xf32, #tpu.memory_space<vmem>>, vector<1x16xf32>,
        %parallel_loop3A_154 = vector.shape_cast %parallel_loop3A_153 : vector<1x16xf32> to vector<16xf32>
        %parallel_loop3A_155 = vector.shape_cast %parallel_loop3A_150 : vector<16xf32> to vector<1x16xf32>
        tpu.vector_store %arg7[%parallel_loop3A_151, %parallel_loop3A_152], %parallel_loop3A_155 {strides = array<i32>} : memref<128x64xf32, #tpu.memory_space<vmem>>, vector<1x16xf32>,
        %parallel_loop3A_156 = arith.index_cast %parallel_loop3A_117 : i32 to index
        %parallel_loop3A_157 = arith.constant 32 : index
        %parallel_loop3A_158 = tpu.vector_load %arg7[%parallel_loop3A_156, %parallel_loop3A_157] {strides = array<i32>} : memref<128x64xf32, #tpu.memory_space<vmem>>, vector<1x16xf32>,
        %parallel_loop3A_159 = vector.shape_cast %parallel_loop3A_158 : vector<1x16xf32> to vector<16xf32>
        %parallel_loop3A_160 = arith.index_cast %parallel_loop3A_117 : i32 to index
        %parallel_loop3A_161 = arith.constant 32 : index
        %parallel_loop3A_162 = tpu.vector_load %arg9[%parallel_loop3A_160, %parallel_loop3A_161] {strides = array<i32>} : memref<128x128xf32, #tpu.memory_space<vmem>>, vector<1x16xf32>,
        %parallel_loop3A_163 = vector.shape_cast %parallel_loop3A_162 : vector<1x16xf32> to vector<16xf32>
        %parallel_loop3A_164 = arith.index_cast %parallel_loop3A_117 : i32 to index
        %parallel_loop3A_165 = arith.constant 96 : index
        %parallel_loop3A_166 = tpu.vector_load %arg9[%parallel_loop3A_164, %parallel_loop3A_165] {strides = array<i32>} : memref<128x128xf32, #tpu.memory_space<vmem>>, vector<1x16xf32>,
        %parallel_loop3A_167 = vector.shape_cast %parallel_loop3A_166 : vector<1x16xf32> to vector<16xf32>
        %parallel_loop3A_168 = arith.mulf %parallel_loop3A_159, %parallel_loop3A_163 : vector<16xf32>
        %parallel_loop3A_169 = arith.addf %parallel_loop3A_168, %parallel_loop3A_167 : vector<16xf32>
        %parallel_loop3A_170 = arith.index_cast %parallel_loop3A_117 : i32 to index
        %parallel_loop3A_171 = arith.constant 32 : index
        %parallel_loop3A_172 = tpu.vector_load %arg7[%parallel_loop3A_170, %parallel_loop3A_171] {strides = array<i32>} : memref<128x64xf32, #tpu.memory_space<vmem>>, vector<1x16xf32>,
        %parallel_loop3A_173 = vector.shape_cast %parallel_loop3A_172 : vector<1x16xf32> to vector<16xf32>
        %parallel_loop3A_174 = vector.shape_cast %parallel_loop3A_169 : vector<16xf32> to vector<1x16xf32>
        tpu.vector_store %arg7[%parallel_loop3A_170, %parallel_loop3A_171], %parallel_loop3A_174 {strides = array<i32>} : memref<128x64xf32, #tpu.memory_space<vmem>>, vector<1x16xf32>,
        %parallel_loop3A_175 = arith.index_cast %parallel_loop3A_117 : i32 to index
        %parallel_loop3A_176 = arith.constant 48 : index
        %parallel_loop3A_177 = tpu.vector_load %arg7[%parallel_loop3A_175, %parallel_loop3A_176] {strides = array<i32>} : memref<128x64xf32, #tpu.memory_space<vmem>>, vector<1x16xf32>,
        %parallel_loop3A_178 = vector.shape_cast %parallel_loop3A_177 : vector<1x16xf32> to vector<16xf32>
        %parallel_loop3A_179 = arith.index_cast %parallel_loop3A_117 : i32 to index
        %parallel_loop3A_180 = arith.constant 48 : index
        %parallel_loop3A_181 = tpu.vector_load %arg9[%parallel_loop3A_179, %parallel_loop3A_180] {strides = array<i32>} : memref<128x128xf32, #tpu.memory_space<vmem>>, vector<1x16xf32>,
        %parallel_loop3A_182 = vector.shape_cast %parallel_loop3A_181 : vector<1x16xf32> to vector<16xf32>
        %parallel_loop3A_183 = arith.index_cast %parallel_loop3A_117 : i32 to index
        %parallel_loop3A_184 = arith.constant 112 : index
        %parallel_loop3A_185 = tpu.vector_load %arg9[%parallel_loop3A_183, %parallel_loop3A_184] {strides = array<i32>} : memref<128x128xf32, #tpu.memory_space<vmem>>, vector<1x16xf32>,
        %parallel_loop3A_186 = vector.shape_cast %parallel_loop3A_185 : vector<1x16xf32> to vector<16xf32>
        %parallel_loop3A_187 = arith.mulf %parallel_loop3A_178, %parallel_loop3A_182 : vector<16xf32>
        %parallel_loop3A_188 = arith.addf %parallel_loop3A_187, %parallel_loop3A_186 : vector<16xf32>
        %parallel_loop3A_189 = arith.index_cast %parallel_loop3A_117 : i32 to index
        %parallel_loop3A_190 = arith.constant 48 : index
        %parallel_loop3A_191 = tpu.vector_load %arg7[%parallel_loop3A_189, %parallel_loop3A_190] {strides = array<i32>} : memref<128x64xf32, #tpu.memory_space<vmem>>, vector<1x16xf32>,
        %parallel_loop3A_192 = vector.shape_cast %parallel_loop3A_191 : vector<1x16xf32> to vector<16xf32>
        %parallel_loop3A_193 = vector.shape_cast %parallel_loop3A_188 : vector<16xf32> to vector<1x16xf32>
        tpu.vector_store %arg7[%parallel_loop3A_189, %parallel_loop3A_190], %parallel_loop3A_193 {strides = array<i32>} : memref<128x64xf32, #tpu.memory_space<vmem>>, vector<1x16xf32>,
      } {sc.loop_unroll_factor = 4 : i64, sc.parallel_access}
      %add3A_98 = arith.addi %mul3A_2, %add3A_74 : i32
      %mul3A_99 = arith.constant 128 : i32
      %mul3A_100 = arith.muli %add3A_98, %mul3A_99 : i32
      %dma_start3A_101 = arith.constant 0 : i32
      %dma_start3A_102 = tpu.memref_slice %arg5[%mul3A_100, %dma_start3A_101] : memref<262144x64xf32, #tpu.memory_space<hbm>> -> memref<128x64xf32, #tpu.memory_space<hbm>>
      %dma_start3A_103 = arith.constant 0 : i32
      %dma_start3A_104 = tpu.memref_slice %arg5[%mul3A_100, %dma_start3A_103] : memref<262144x64xf32, #tpu.memory_space<hbm>> -> memref<128x64xf32, #tpu.memory_space<hbm>>
      tpu.enqueue_dma source(%arg7 : memref<128x64xf32, #tpu.memory_space<vmem>>) target(%dma_start3A_104 : memref<128x64xf32, #tpu.memory_space<hbm>>) target_semaphore(%arg18 : memref<!tpu.dma_semaphore, #tpu.memory_space<semaphore_mem>>)
      %ge3A_105 = arith.constant 1 : i32
      %ge3A_106 = arith.cmpi sge, %add3A_74, %ge3A_105 : i32
      %convert_element_type3A_107 = arith.extui %ge3A_106 : i1 to i32
      %cond3A_108 = arith.constant 0 : i32
      %cond3A_109 = arith.cmpi ne, %convert_element_type3A_107, %cond3A_108 : i32
      scf.if %cond3A_109 {
        %sub3A = arith.constant 1 : i32
        %sub3A_117 = arith.subi %add3A_74, %sub3A : i32
        %add3A_118 = arith.addi %mul3A_2, %sub3A_117 : i32
        %mul3A_119 = arith.constant 128 : i32
        %mul3A_120 = arith.muli %add3A_118, %mul3A_119 : i32
        %dma_wait3A_121 = arith.constant 0 : i32
        %dma_wait3A_122 = tpu.memref_slice %arg5[%mul3A_120, %dma_wait3A_121] : memref<262144x64xf32, #tpu.memory_space<hbm>> -> memref<128x64xf32, #tpu.memory_space<hbm>>
        %dma_wait3A_123 = arith.constant 0 : i32
        %dma_wait3A_124 = tpu.memref_slice %arg5[%mul3A_120, %dma_wait3A_123] : memref<262144x64xf32, #tpu.memory_space<hbm>> -> memref<128x64xf32, #tpu.memory_space<hbm>>
        tpu.wait_dma2 semaphore(%arg17 : memref<!tpu.dma_semaphore, #tpu.memory_space<semaphore_mem>>) src(%arg6 : memref<128x64xf32, #tpu.memory_space<vmem>>) dst(%dma_wait3A_124 : memref<128x64xf32, #tpu.memory_space<hbm>>)
      } else {
      }
      %add3A_110 = arith.constant 1 : i32
      %add3A_111 = arith.addi %add3A_74, %add3A_110 : i32
      %lt3A_112 = arith.constant 64 : i32
      %lt3A_113 = arith.cmpi slt, %add3A_111, %lt3A_112 : i32
      %convert_element_type3A_114 = arith.extui %lt3A_113 : i1 to i32
      %cond3A_115 = arith.constant 0 : i32
      %cond3A_116 = arith.cmpi ne, %convert_element_type3A_114, %cond3A_115 : i32
      scf.if %cond3A_116 {
        %add3A_117 = arith.constant 1 : i32
        %add3A_118 = arith.addi %add3A_74, %add3A_117 : i32
        %add3A_119 = arith.addi %mul3A_2, %add3A_118 : i32
        %mul3A_120 = arith.constant 128 : i32
        %mul3A_121 = arith.muli %add3A_119, %mul3A_120 : i32
        %dma_start3A_122 = arith.constant 0 : i32
        %dma_start3A_123 = tpu.memref_slice %arg2[%mul3A_121, %dma_start3A_122] : memref<262144x64xf32, #tpu.memory_space<hbm>> -> memref<128x64xf32, #tpu.memory_space<hbm>>
        %dma_start3A_124 = arith.constant 0 : i32
        %dma_start3A_125 = tpu.memref_slice %arg2[%mul3A_121, %dma_start3A_124] : memref<262144x64xf32, #tpu.memory_space<hbm>> -> memref<128x64xf32, #tpu.memory_space<hbm>>
        tpu.enqueue_dma source(%dma_start3A_125 : memref<128x64xf32, #tpu.memory_space<hbm>>) target(%arg6 : memref<128x64xf32, #tpu.memory_space<vmem>>) target_semaphore(%arg13 : memref<!tpu.dma_semaphore, #tpu.memory_space<semaphore_mem>>)
      } else {
      }
    }
    %scan3A_23 = arith.constant 32 : i32
    %add3A_24 = arith.constant 63 : i32
    %add3A_25 = arith.addi %mul3A_2, %add3A_24 : i32
    %mul3A_26 = arith.constant 128 : i32
    %mul3A_27 = arith.muli %add3A_25, %mul3A_26 : i32
    %dma_wait3A = arith.constant 0 : i32
    %dma_wait3A_28 = tpu.memref_slice %arg5[%mul3A_27, %dma_wait3A] : memref<262144x64xf32, #tpu.memory_space<hbm>> -> memref<128x64xf32, #tpu.memory_space<hbm>>
    %dma_wait3A_29 = arith.constant 0 : i32
    %dma_wait3A_30 = tpu.memref_slice %arg5[%mul3A_27, %dma_wait3A_29] : memref<262144x64xf32, #tpu.memory_space<hbm>> -> memref<128x64xf32, #tpu.memory_space<hbm>>
    tpu.wait_dma2 semaphore(%arg18 : memref<!tpu.dma_semaphore, #tpu.memory_space<semaphore_mem>>) src(%arg7 : memref<128x64xf32, #tpu.memory_space<vmem>>) dst(%dma_wait3A_30 : memref<128x64xf32, #tpu.memory_space<hbm>>)
    return
  }
}

module attributes {stable_mosaic.version = 14 : i64} {
  func.func @_stats_tc_kernel(%arg0: i32, %arg1: memref<16384x64xf32, #tpu.memory_space<vmem>>, %arg2: memref<1x1x16384xi32, #tpu.memory_space<vmem>>, %arg3: memref<2x64xf32, #tpu.memory_space<vmem>>, %arg4: memref<16x144xf32, #tpu.memory_space<vmem>>, %arg5: memref<16x128xf32, #tpu.memory_space<vmem>>) attributes {dimension_semantics = [#tpu.dimension_semantics<arbitrary>], iteration_bounds = array<i64: 16>, scalar_prefetch = 0 : i64, scratch_operands = 0 : i64, tpu.core_type = #tpu.core_type<tc>, window_params = [{transform_indices = @transform_0, window_bounds = array<i64: 16384, 64>}, {transform_indices = @transform_1, window_bounds = array<i64: 1, 1, 16384>}, {pipeline_mode = #tpu.pipeline_mode<synchronous>, transform_indices = @transform_2, window_bounds = array<i64: 2, 64>}, {pipeline_mode = #tpu.pipeline_mode<synchronous>, transform_indices = @transform_3, window_bounds = array<i64: 16, 144>}, {pipeline_mode = #tpu.pipeline_mode<synchronous>, transform_indices = @transform_4, window_bounds = array<i64: 16, 128>}]} {
    %get3A = arith.constant 0 : index
    %get3A_0 = arith.constant 0 : index
    %get3A_1 = vector.load %arg1[%get3A, %get3A_0] : memref<16384x64xf32, #tpu.memory_space<vmem>>, vector<16384x64xf32>
    %get3A_2 = arith.constant 0 : index
    %get3A_3 = arith.constant 0 : index
    %get3A_4 = arith.constant 0 : index
    %get3A_5 = vector.load %arg2[%get3A_2, %get3A_3, %get3A_4] : memref<1x1x16384xi32, #tpu.memory_space<vmem>>, vector<1x1x16384xi32>
    %get3A_6 = vector.shape_cast %get3A_5 : vector<1x1x16384xi32> to vector<16384xi32>
    %broadcast_in_dim3A = vector.shape_cast %get3A_6 : vector<16384xi32> to vector<16384x1xi32>
    %iota3A = tpu.iota {dimensions = array<i32: 1>} : vector<16384x16xi32>
    %eq3A = vector.broadcast %broadcast_in_dim3A : vector<16384x1xi32> to vector<16384x16xi32>
    %eq3A_7 = arith.cmpi eq, %eq3A, %iota3A : vector<16384x16xi32>
    %convert_element_type3A = arith.extui %eq3A_7 : vector<16384x16xi1> to vector<16384x16xi32>
    %convert_element_type3A_8 = arith.sitofp %convert_element_type3A : vector<16384x16xi32> to vector<16384x16xf32>
    %mul3A = arith.mulf %get3A_1, %get3A_1 : vector<16384x64xf32>
    %broadcast_in_dim3A_9 = arith.constant 1.000000e+00 : f32
    %broadcast_in_dim3A_10 = vector.broadcast %broadcast_in_dim3A_9 : f32 to vector<16384x16xf32>
    %concatenate3A = tpu.concatenate %get3A_1, %mul3A, %broadcast_in_dim3A_10 in 1 : vector<16384x64xf32>, vector<16384x64xf32>, vector<16384x16xf32> -> vector<16384x144xf32>
    %eq3A_11 = arith.constant 0 : i32
    %eq3A_12 = arith.cmpi eq, %arg0, %eq3A_11 : i32
    %convert_element_type3A_13 = arith.extui %eq3A_12 : i1 to i32
    %cond3A = arith.constant 0 : i32
    %cond3A_14 = arith.cmpi ne, %convert_element_type3A_13, %cond3A : i32
    scf.if %cond3A_14 {
      %broadcast_in_dim3A_26 = arith.constant 0.000000e+00 : f32
      %broadcast_in_dim3A_27 = vector.broadcast %broadcast_in_dim3A_26 : f32 to vector<16x144xf32>
      %swap3A_28 = arith.constant 0 : index
      %swap3A_29 = arith.constant 0 : index
      %swap3A_30 = vector.load %arg4[%swap3A_28, %swap3A_29] : memref<16x144xf32, #tpu.memory_space<vmem>>, vector<16x144xf32>
      tpu.vector_store %arg4[%swap3A_28, %swap3A_29], %broadcast_in_dim3A_27 {strides = array<i32>} : memref<16x144xf32, #tpu.memory_space<vmem>>, vector<16x144xf32>,
    } else {
    }
    %get3A_15 = arith.constant 0 : index
    %get3A_16 = arith.constant 0 : index
    %get3A_17 = vector.load %arg4[%get3A_15, %get3A_16] : memref<16x144xf32, #tpu.memory_space<vmem>>, vector<16x144xf32>
    %dot_general3A = arith.constant dense<0.000000e+00> : vector<16x144xf32>
    %dot_general3A_18 = tpu.matmul %convert_element_type3A_8, %concatenate3A, %dot_general3A {dimension_numbers = #tpu.dot_dimension_numbers<[0], [0], [1], [1], [0, 1, 1, 1], [], []>, transpose_lhs_hint = false} : vector<16384x16xf32>, vector<16384x144xf32>, vector<16x144xf32> -> vector<16x144xf32>
    %add3A = arith.addf %get3A_17, %dot_general3A_18 : vector<16x144xf32>
    %swap3A = arith.constant 0 : index
    %swap3A_19 = arith.constant 0 : index
    %swap3A_20 = vector.load %arg4[%swap3A, %swap3A_19] : memref<16x144xf32, #tpu.memory_space<vmem>>, vector<16x144xf32>
    tpu.vector_store %arg4[%swap3A, %swap3A_19], %add3A {strides = array<i32>} : memref<16x144xf32, #tpu.memory_space<vmem>>, vector<16x144xf32>,
    %eq3A_21 = arith.constant 15 : i32
    %eq3A_22 = arith.cmpi eq, %arg0, %eq3A_21 : i32
    %convert_element_type3A_23 = arith.extui %eq3A_22 : i1 to i32
    %cond3A_24 = arith.constant 0 : i32
    %cond3A_25 = arith.cmpi ne, %convert_element_type3A_23, %cond3A_24 : i32
    scf.if %cond3A_25 {
      %get3A_26 = arith.constant 0 : index
      %get3A_27 = arith.constant 0 : index
      %get3A_28 = vector.load %arg4[%get3A_26, %get3A_27] : memref<16x144xf32, #tpu.memory_space<vmem>>, vector<16x144xf32>
      %slice3A = vector.extract_strided_slice %get3A_28 {offsets = [0, 0], sizes = [16, 64], strides = [1, 1]} : vector<16x144xf32> to vector<16x64xf32>
      %slice3A_29 = vector.extract_strided_slice %get3A_28 {offsets = [0, 64], sizes = [16, 64], strides = [1, 1]} : vector<16x144xf32> to vector<16x64xf32>
      %slice3A_30 = vector.extract_strided_slice %get3A_28 {offsets = [0, 128], sizes = [16, 1], strides = [1, 1]} : vector<16x144xf32> to vector<16x1xf32>
      %max3A = arith.constant 1.000000e+00 : f32
      %max3A_31 = vector.broadcast %max3A : f32 to vector<16x1xf32>
      %max3A_32 = arith.maximumf %slice3A_30, %max3A_31 : vector<16x1xf32>
      %mul3A_33 = arith.constant 8.000000e+00 : f32
      %mul3A_34 = vector.broadcast %mul3A_33 : f32 to vector<16x1xf32>
      %mul3A_35 = arith.mulf %max3A_32, %mul3A_34 : vector<16x1xf32>
      %iota3A_36 = tpu.iota {dimensions = array<i32: 0>} : vector<64x8xi32>
      %jit3A = arith.constant 8 : i32
      %div3A = vector.broadcast %jit3A : i32 to vector<64x8xi32>
      %div3A_37 = arith.divsi %iota3A_36, %div3A : vector<64x8xi32>
      %sign3A = arith.constant 0 : i32
      %sign3A_38 = vector.broadcast %sign3A : i32 to vector<64x8xi32>
      %sign3A_39 = arith.cmpi sgt, %iota3A_36, %sign3A_38 : vector<64x8xi32>
      %sign3A_40 = arith.extui %sign3A_39 : vector<64x8xi1> to vector<64x8xi32>
      %sign3A_41 = arith.constant 0 : i32
      %sign3A_42 = vector.broadcast %sign3A_41 : i32 to vector<64x8xi32>
      %sign3A_43 = arith.cmpi slt, %iota3A_36, %sign3A_42 : vector<64x8xi32>
      %sign3A_44 = arith.extui %sign3A_43 : vector<64x8xi1> to vector<64x8xi32>
      %sign3A_45 = arith.subi %sign3A_40, %sign3A_44 : vector<64x8xi32>
      %sign3A_46 = arith.constant 0 : i32
      %sign3A_47 = arith.cmpi sgt, %jit3A, %sign3A_46 : i32
      %sign3A_48 = arith.extui %sign3A_47 : i1 to i32
      %sign3A_49 = arith.constant 0 : i32
      %sign3A_50 = arith.cmpi slt, %jit3A, %sign3A_49 : i32
      %sign3A_51 = arith.extui %sign3A_50 : i1 to i32
      %sign3A_52 = arith.subi %sign3A_48, %sign3A_51 : i32
      %ne3A = vector.broadcast %sign3A_52 : i32 to vector<64x8xi32>
      %ne3A_53 = arith.cmpi ne, %sign3A_45, %ne3A : vector<64x8xi32>
      %rem3A = vector.broadcast %jit3A : i32 to vector<64x8xi32>
      %rem3A_54 = arith.remsi %iota3A_36, %rem3A : vector<64x8xi32>
      %ne3A_55 = arith.constant 0 : i32
      %ne3A_56 = vector.broadcast %ne3A_55 : i32 to vector<64x8xi32>
      %ne3A_57 = arith.cmpi ne, %rem3A_54, %ne3A_56 : vector<64x8xi32>
      %and3A = arith.andi %ne3A_53, %ne3A_57 : vector<64x8xi1>
      %sub3A = arith.constant 1 : i32
      %sub3A_58 = vector.broadcast %sub3A : i32 to vector<64x8xi32>
      %sub3A_59 = arith.subi %div3A_37, %sub3A_58 : vector<64x8xi32>
      %select_n3A = arith.select %and3A, %sub3A_59, %div3A_37 : vector<64x8xi1>, vector<64x8xi32>
      %iota3A_60 = tpu.iota {dimensions = array<i32: 1>} : vector<64x8xi32>
      %eq3A_61 = arith.cmpi eq, %select_n3A, %iota3A_60 : vector<64x8xi32>
      %convert_element_type3A_62 = arith.extui %eq3A_61 : vector<64x8xi1> to vector<64x8xi32>
      %convert_element_type3A_63 = arith.sitofp %convert_element_type3A_62 : vector<64x8xi32> to vector<64x8xf32>
      %dot_general3A_64 = arith.constant dense<0.000000e+00> : vector<16x8xf32>
      %dot_general3A_65 = tpu.matmul %slice3A, %convert_element_type3A_63, %dot_general3A_64 {dimension_numbers = #tpu.dot_dimension_numbers<[1], [0], [0], [1], [0, 0, 1, 1], [], []>, transpose_lhs_hint = false} : vector<16x64xf32>, vector<64x8xf32>, vector<16x8xf32> -> vector<16x8xf32>
      %dot_general3A_66 = arith.constant dense<0.000000e+00> : vector<16x8xf32>
      %dot_general3A_67 = tpu.matmul %slice3A_29, %convert_element_type3A_63, %dot_general3A_66 {dimension_numbers = #tpu.dot_dimension_numbers<[1], [0], [0], [1], [0, 0, 1, 1], [], []>, transpose_lhs_hint = false} : vector<16x64xf32>, vector<64x8xf32>, vector<16x8xf32> -> vector<16x8xf32>
      %div3A_68 = vector.broadcast %mul3A_35 : vector<16x1xf32> to vector<16x8xf32>
      %div3A_69 = arith.divf %dot_general3A_65, %div3A_68 : vector<16x8xf32>
      %div3A_70 = vector.broadcast %mul3A_35 : vector<16x1xf32> to vector<16x8xf32>
      %div3A_71 = arith.divf %dot_general3A_67, %div3A_70 : vector<16x8xf32>
      %mul3A_72 = arith.mulf %div3A_69, %div3A_69 : vector<16x8xf32>
      %sub3A_73 = arith.subf %div3A_71, %mul3A_72 : vector<16x8xf32>
      %add3A_74 = arith.constant 9.99999974E-6 : f32
      %add3A_75 = vector.broadcast %add3A_74 : f32 to vector<16x8xf32>
      %add3A_76 = arith.addf %sub3A_73, %add3A_75 : vector<16x8xf32>
      %rsqrt3A = math.rsqrt %add3A_76 : vector<16x8xf32>
      %dot_general3A_77 = arith.constant dense<0.000000e+00> : vector<16x64xf32>
      %dot_general3A_78 = tpu.matmul %div3A_69, %convert_element_type3A_63, %dot_general3A_77 {dimension_numbers = #tpu.dot_dimension_numbers<[1], [1], [0], [0], [0, 0, 1, 0], [], []>, transpose_lhs_hint = false} : vector<16x8xf32>, vector<64x8xf32>, vector<16x64xf32> -> vector<16x64xf32>
      %dot_general3A_79 = arith.constant dense<0.000000e+00> : vector<16x64xf32>
      %dot_general3A_80 = tpu.matmul %rsqrt3A, %convert_element_type3A_63, %dot_general3A_79 {dimension_numbers = #tpu.dot_dimension_numbers<[1], [1], [0], [0], [0, 0, 1, 0], [], []>, transpose_lhs_hint = false} : vector<16x8xf32>, vector<64x8xf32>, vector<16x64xf32> -> vector<16x64xf32>
      %get3A_81 = arith.constant 0 : index
      %get3A_82 = arith.constant 0 : index
      %get3A_83 = vector.load %arg3[%get3A_81, %get3A_82] : memref<2x64xf32, #tpu.memory_space<vmem>>, vector<1x64xf32>
      %get3A_84 = arith.constant 1 : index
      %get3A_85 = arith.constant 0 : index
      %get3A_86 = vector.load %arg3[%get3A_84, %get3A_85] : memref<2x64xf32, #tpu.memory_space<vmem>>, vector<1x64xf32>
      %mul3A_87 = vector.broadcast %get3A_83 : vector<1x64xf32> to vector<16x64xf32>
      %mul3A_88 = arith.mulf %dot_general3A_80, %mul3A_87 : vector<16x64xf32>
      %mul3A_89 = arith.mulf %dot_general3A_78, %mul3A_88 : vector<16x64xf32>
      %sub3A_90 = vector.broadcast %get3A_86 : vector<1x64xf32> to vector<16x64xf32>
      %sub3A_91 = arith.subf %sub3A_90, %mul3A_89 : vector<16x64xf32>
      %concatenate3A_92 = tpu.concatenate %mul3A_88, %sub3A_91 in 1 : vector<16x64xf32>, vector<16x64xf32> -> vector<16x128xf32>
      %swap3A_93 = arith.constant 0 : index
      %swap3A_94 = arith.constant 0 : index
      %swap3A_95 = vector.load %arg5[%swap3A_93, %swap3A_94] : memref<16x128xf32, #tpu.memory_space<vmem>>, vector<16x128xf32>
      tpu.vector_store %arg5[%swap3A_93, %swap3A_94], %concatenate3A_92 {strides = array<i32>} : memref<16x128xf32, #tpu.memory_space<vmem>>, vector<16x128xf32>,
    } else {
    }
    return
  }
  func.func @transform_0(%arg0: i32) -> (i32, i32) {
    %c0_i32 = arith.constant 0 : i32
    %c0_i32_0 = arith.constant 0 : i32
    return %arg0, %c0_i32 : i32, i32
  }
  func.func @transform_1(%arg0: i32) -> (i32, i32, i32) {
    %c0_i32 = arith.constant 0 : i32
    %c0_i32_0 = arith.constant 0 : i32
    %c0_i32_1 = arith.constant 0 : i32
    return %arg0, %c0_i32, %c0_i32_0 : i32, i32, i32
  }
  func.func @transform_2(%arg0: i32) -> (i32, i32) {
    %c0_i32 = arith.constant 0 : i32
    %c0_i32_0 = arith.constant 0 : i32
    %c0_i32_1 = arith.constant 0 : i32
    return %c0_i32, %c0_i32_0 : i32, i32
  }
  func.func @transform_3(%arg0: i32) -> (i32, i32) {
    %c0_i32 = arith.constant 0 : i32
    %c0_i32_0 = arith.constant 0 : i32
    %c0_i32_1 = arith.constant 0 : i32
    return %c0_i32, %c0_i32_0 : i32, i32
  }
  func.func @transform_4(%arg0: i32) -> (i32, i32) {
    %c0_i32 = arith.constant 0 : i32
    %c0_i32_0 = arith.constant 0 : i32
    %c0_i32_1 = arith.constant 0 : i32
    return %c0_i32, %c0_i32_0 : i32, i32
  }
}

</mosaic_0001>

<sc_bundles>
// kernel: kernel.4.cloned.1.call-start
scs
__scs_entry_jumppad:
0x0: {  	(pc) =	sbr.rel $0x88, $3  }
0x1: {  	(tag) =	ssettag $0x0;
	lr =	simm.s32 $0x1  }
0x2: {  	[smem:$0x3F9D] =	sst lr;
	_ =	strace $0xD0000000  }
0x3: {  	_ = 	snop  }
0x4: {  	_ = 	snop  }
0x5: {  	_ = 	snop  }
0x6: {  	_ = 	snop  }
0x7: {  	_ = 	snop  }
__scs_overlays_trampoline_lowered:
0x8: {  	[smem:$0x3FAC] =	sst s0  }
0x9: {  	[smem:$0x3FAD] =	sst s1  }
0xa: {  	[smem:$0x3FAE] =	sst s2  }
0xb: {  	[smem:$0x3FAF] =	sst s3  }
0xc: {  	[smem:$0x3FB0] =	sst s4  }
0xd: {  	[smem:$0x3FB1] =	sst s5  }
0xe: {  	[smem:$0x3FB2] =	sst s6  }
0xf: {  	[smem:$0x3FB3] =	sst s7  }
0x10: {  	[smem:$0x3FB4] =	sst s8  }
0x11: {  	[smem:$0x3FB5] =	sst s9;
	s0 =	simm.s32 @!p0 $0x0  }
0x12: {  	s1 =	sld [smem:$0x3F9B];
	s0 =	simm.s32 @p0 $0x1  }
0x13: {  	[smem:$0x3FB6] =	sst s0;
	s0 =	simm.s32 @!p1 $0x0  }
0x14: {  	s2 =	sld [smem:$0x3F9A];
	s0 =	simm.s32 @p1 $0x1  }
0x15: {  	[smem:$0x3FB7] =	sst s0;
	s0 =	simm.s32 @!p2 $0x0  }
0x16: {  	s3 =	sld [smem:$0x3FDB];
	s0 =	simm.s32 @p2 $0x1  }
0x17: {  	s4 =	simm.s32 $0x1BF5;
	[smem:$0x3FB9] =	sst s0  }
0x18: {  	s0 =	sld [smem:$0x3F9C];
	_ =	swait.ge [sflag:s4], $0x0  }
0x19: {  	s7 =	sld [smem:$0x3F9D]  }
0x1a: {  	s8 =	sadd.s32 $0xFFFFE003, lr  }
0x1b: {  	s9 =	sadd.s32 $0xFFFFFEF7, lr;
	s5 =	simm.s32 $0xFFFFFFFF;
	p2 =	slt.u32 s8, $0xFFFFF086  }
0x1c: {  	p1 =	slt.u32 s9, $0xF7A;
	s5 =	simm.s32 @!p2 $0x0  }
0x1d: {  	s5 =	simm.s32 @p1 $0x1;
	p0 =	seq.s32 s7, s2  }
0x1e: {  	s7 =	smul.u32 @!p0 $0xF7A, s2;
	p2 =	seq.s32 @!p0 s5, $0x0  }
0x1f: {  	s9 =	smul.u32 $0xF7A, s1;
	s8 =	simm.s32 @!p0 $0x1BF5;
	p2 =	por !p2, p0  }
0x20: {  	[sflag:s8] =	ssyncset.s32 @!p0 $0xFFFFF086;
	s6 =	sadd.s32 @!p0 s3, s7;
	s7 =	simm.s32 @!p0 $0x108  }
0x21: {  	s3 =	sadd.s32 s3, s9;
	s6 =	sadd.s32 @!p0 $0x88, s6;
	s7 =	simm.s32 @p2 $0x1082  }
0x22: {  	[simem:s7], [sflag:s8] =	dma.local @!p0 [hbm:s6], $0xF7A  }
0x23: {  	s9 =	sor.u32 $0xD0000000, s2;
	s6 =	simm.s32 $0x108;
	_ =	swait.ge @!p0 [sflag:s8], $0x0  }
0x24: {  	s3 =	sadd.s32 $0x88, s3;
	s6 =	simm.s32 @!p1 $0x1082;
	[sflag:s4] =	ssyncset.s32 $0xFFFFF086  }
0x25: {  	[simem:s6], [sflag:s4] =	dma.local [hbm:s3], $0xF7A  }
0x26: {  	[smem:$0x3F9D] =	sst s1;
	(tag) =	ssettag s2;
	_ =	strace s9  }
0x27: {  	s1 =	sld [smem:$0x3FAD]  }
0x28: {  	s2 =	sld [smem:$0x3FAE]  }
0x29: {  	s4 =	sld [smem:$0x3FB0]  }
0x2a: {  	p0 =	seq.s32 s5, $0x0;
	s5 =	sld [smem:$0x3FB1]  }
0x2b: {  	s6 =	sld [smem:$0x3FB2]  }
0x2c: {  	s7 =	sld [smem:$0x3FB3]  }
0x2d: {  	s3 =	simm.s32 $0x108;
	s8 =	sld [smem:$0x3FB4]  }
0x2e: {  	s3 =	simm.s32 @!p0 $0x1082;
	s9 =	sld [smem:$0x3FB5]  }
0x2f: {  	lr =	sadd.s32 s0, s3;
	s0 =	sld [smem:$0x3FAC]  }
0x30: {  	s3 =	sld [smem:$0x3FAF]  }
0x31: {  	[smem:$0x3FB8] =	sst s10  }
0x32: {  	s10 =	sld [smem:$0x3FB6];
	_ =	sdelay $0x3  }
0x33: {  	p0 =	seq.s32 s10, $0x1;
	s10 =	sld [smem:$0x3FB8];
	_ =	sdelay $0x3  }
0x34: {  	[smem:$0x3FB8] =	sst s10  }
0x35: {  	s10 =	sld [smem:$0x3FB7];
	_ =	sdelay $0x3  }
0x36: {  	p1 =	seq.s32 s10, $0x1;
	s10 =	sld [smem:$0x3FB8];
	_ =	sdelay $0x3  }
0x37: {  	[smem:$0x3FB8] =	sst s10  }
0x38: {  	s10 =	sld [smem:$0x3FB9]  }
0x39: {  	_ = 	snop;
	(pc) =	sbr.ind lr, $3  }
0x3a: {  	_ = 	snop  }
0x3b: {  	_ = 	snop  }
0x3c: {  	p2 =	seq.s32 s10, $0x1;
	s10 =	sld [smem:$0x3FB8]  }
0x3d: {  	_ =	shalt  }
0x3e: {  	_ =	shalt  }
0x3f: {  	_ =	shalt  }
0x40: {  	_ =	shalt  }
0x41: {  	_ =	shalt  }
0x42: {  	_ =	shalt  }
0x43: {  	_ =	shalt  }
0x44: {  	_ =	shalt  }
0x45: {  	_ =	shalt  }
0x46: {  	_ =	shalt  }
0x47: {  	_ =	shalt  }
0x48: {  	_ =	shalt  }
0x49: {  	_ =	shalt  }
0x4a: {  	_ =	shalt  }
0x4b: {  	_ =	shalt  }
0x4c: {  	_ =	shalt  }
0x4d: {  	_ =	shalt  }
0x4e: {  	_ =	shalt  }
0x4f: {  	_ =	shalt  }
0x50: {  	_ =	shalt  }
0x51: {  	_ =	shalt  }
0x52: {  	_ =	shalt  }
0x53: {  	_ =	shalt  }
0x54: {  	_ =	shalt  }
0x55: {  	_ =	shalt  }
0x56: {  	_ =	shalt  }
0x57: {  	_ =	shalt  }
0x58: {  	_ =	shalt  }
0x59: {  	_ =	shalt  }
0x5a: {  	_ =	shalt  }
0x5b: {  	_ =	shalt  }
0x5c: {  	_ =	shalt  }
0x5d: {  	_ =	shalt  }
0x5e: {  	_ =	shalt  }
0x5f: {  	_ =	shalt  }
0x60: {  	_ =	shalt  }
0x61: {  	_ =	shalt  }
0x62: {  	_ =	shalt  }
0x63: {  	_ =	shalt  }
0x64: {  	_ =	shalt  }
0x65: {  	_ =	shalt  }
0x66: {  	_ =	shalt  }
0x67: {  	_ =	shalt  }
0x68: {  	_ =	shalt  }
0x69: {  	_ =	shalt  }
0x6a: {  	_ =	shalt  }
0x6b: {  	_ =	shalt  }
0x6c: {  	_ =	shalt  }
0x6d: {  	_ =	shalt  }
0x6e: {  	_ =	shalt  }
0x6f: {  	_ =	shalt  }
0x70: {  	_ =	shalt  }
0x71: {  	_ =	shalt  }
0x72: {  	_ =	shalt  }
0x73: {  	_ =	shalt  }
0x74: {  	_ =	shalt  }
0x75: {  	_ =	shalt  }
0x76: {  	_ =	shalt  }
0x77: {  	_ =	shalt  }
0x78: {  	_ =	shalt  }
0x79: {  	_ =	shalt  }
0x7a: {  	_ =	shalt  }
0x7b: {  	_ =	shalt  }
0x7c: {  	_ =	shalt  }
0x7d: {  	_ =	shalt  }
0x7e: {  	_ =	shalt  }
0x7f: {  	_ =	shalt  }
0x80: {  	_ =	shalt  }
0x81: {  	_ =	shalt  }
0x82: {  	_ =	shalt  }
0x83: {  	_ =	shalt  }
0x84: {  	_ =	shalt  }
0x85: {  	_ =	shalt  }
0x86: {  	_ =	shalt  }
0x87: {  	_ =	shalt  }
.Lfunc_end0:
.L_simem_size_0:
called_computation_lowered:
.L_overlay_start_0:
0x88: {  	s2 =	sld [smem:$0x3FD9]  }
0x89: {  	s3 =	sld [smem:$0x3FFE];
	_ =	sdelay $0x1  }
0x8a: {  	s1 =	srdreg.scid  }
0x8b: {  	s0 =	sand.u32 $0x1, s1  }
0x8c: {  	s17 =	sshll.u32 s0, $0xA;
	s2 =	sadd.s32 s3, s2  }
0x8d: {  	s2 =	sadd.s32 s2, s17  }
0x8e: {  	[smem:$0x3FC4] =	sst s2  }
0x8f: {  	_ = 	snop  }
0x90: {  	s2 =	sld [smem:$0x3FC8]  }
0x91: {  	s18 =	sld [smem:$0x3FD0];
	(tm) =	ssettm $0x1  }
0x92: {  	s4 =	sld [smem:$0x3FFB];
	_ =	sdelay $0x3  }
0x93: {  	_ =	strace s4  }
0x94: {  	s4 =	sld [smem:$0x3FFC];
	_ =	sdelay $0x3  }
0x95: {  	_ =	strace s4  }
0x96: {  	s4 =	sld [smem:$0x3FFD];
	_ =	sdelay $0x3  }
0x97: {  	_ =	strace s4  }
0x98: {  	_ =	strace $0x8FFFFFFF  }
0x99: {  	s19 =	sld [smem:$0x3FDB];
	_ =	sdelay $0x1  }
0x9a: {  	s5 =	simm.s32 $_scs_section_size  }
0x9b: {  	s6 =	simm.s32 $_size__tile_overlayer_lowered;
	s7 =	simm.s32 $_tile_overlayer_lowered  }
0x9c: {  	s22 =	simm.s32 $0x1BFF;
	s21 =	sshll.u32 s7, $0x1;
	s4 =	sadd.s32 s5, s19  }
0x9d: {  	s8 =	simm.s32 $0x0;
	s20 =	sshll.u32 s6, $0x1;
	s6 =	sadd.s32 s21, s4  }
0x9e: {  	[timem:s8], [sflag:s22] =	dma.local [hbm:s6], s20  }
0x9f: {  	_ =	swait.ge [sflag:s22], s20  }
0xa0: {  	s5 =	ssub.s32 $0x0, s20;
	[sflag:s22] =	ssyncset.done $0x0  }
0xa1: {  	[sflag:s22] =	ssyncadd.s32 s5;
	_ =	sdelay $0x1  }
0xa2: {  	s23 =	simm.s32 $0x1B8B  }
0xa3: {  	_ =	swait.ge [sflag:s23], $0x1  }
0xa4: {  	[sflag:s23] =	ssyncset.done $0x0  }
0xa5: {  	s25 =	simm.s32 $0x1B8E;
	s24 =	sld [smem:$0x3FFE];
	[sflag:s23] =	ssyncadd.s32 $0xFFFFFFFF  }
0xa6: {  	s26 =	simm.s32 $execute0_lowered;
	[smem:$0x3FD2] =	sst s25  }
0xa7: {  	s6 =	sshll.u32 s26, $0x1;
	_ =	strace $0x80000046;
	[dreg:$0x1] =	wrdreg $0xFFFFFFFF  }
0xa8: {  	s28 =	simm.s32 $_size_execute0_lowered;
	s4 =	sadd.s32 s4, s6;
	[dreg:$0x0] =	wrdreg $0x0  }
0xa9: {  	s6 =	sshll.u32 s28, $0x1;
	[dreg:$0x2] =	wrdreg s4  }
0xaa: {  	[dreg:$0x3] =	wrdreg s6  }
0xab: {  	[dreg:$0x4] =	wrdreg $0xC0  }
0xac: {  	_ =	task [dreg:s8], $0x5FFFF  }
0xad: {  	[dreg:$0x1] =	wrdreg $0xFFFFFFFF  }
0xae: {  	[dreg:$0x0] =	wrdreg $0x60  }
0xaf: {  	[dreg:$0x2] =	wrdreg s24  }
0xb0: {  	[dreg:$0x3] =	wrdreg s2  }
0xb1: {  	[dreg:$0x4] =	wrdreg s18  }
0xb2: {  	[dreg:$0x5] =	wrdreg $0x128000  }
0xb3: {  	[dreg:$0x6] =	wrdreg $0x9  }
0xb4: {  	_ =	task.clear_ibuf [dreg:s8], $0x7FFFF;
	_ =	strace $0x90000046  }
0xb5: {  	s29 =	simm.s32 $0x9;
	_ =	strace $0x80000048  }
0xb6: {  	_ =	swait.ge [sflag:s29], $0x1  }
0xb7: {  	[sflag:s29] =	ssyncadd.s32 $0xFFFFFFFF  }
0xb8: {  	_ =	strace $0x90000048  }
0xb9: {  	_ =	sfence  }
0xba: {  	s30 =	sld [smem:$0x0];
	_ =	sdelay $0x2  }
0xbb: {  	s31 =	sshll.u32 s1, $0xD;
	s1 =	sshrl.u32 s1, $0x2  }
0xbc: {  	s3 =	sand.u32 $0x4000, s31;
	s1 =	sadd.s32 s1, s30  }
0xbd: {  	s0 =	sor.u32 s3, s0;
	s1 =	sshll.u32 s1, $0x11  }
0xbe: {  	s0 =	sor.u32 s1, s0  }
0xbf: {  	s0 =	sadd.s32 $0x8F2B, s0  }
0xc0: {  	[sflag:s0] =	ssyncadd.remote.s32 $0x1  }
0xc1: {  	_ =	sfence.sel $0xFFFF  }
0xc2: {  	[dreg:$0x0] =	wrdreg $0xFFFFFFFF;
	(pc) =	sbr.abs _section_cstart, $3  }
0xc3: {  	[dreg:$0x1] =	wrdreg $0xFFFFFFFF  }
0xc4: {  	_ =	task.clear_ibuf [dreg:s8], $0x2FFFF;
	_ =	strace $0x9FFFFFFF  }
0xc5: {  	(tm) =	ssettm $0x7FFFFFFF  }
tec
execute0_lowered:
.L_overlay_start_1:
0x0: {  	(tag) =	ssettag $0x1  }
0x1: {  	s0 =	rddreg [dreg:$0x0]  }
0x2: {  	s7 =	rddreg [dreg:$0x1]  }
0x3: {  	s1 =	rddreg [dreg:$0x2]  }
0x4: {  	s2 =	rddreg [dreg:$0x3];
	s3 =	simm.s32 $0x0  }
0x5: {  	s4 =	srdreg.scid;
	s10 =	stileid.u32;
	s11 =	simm.s32 $0x7  }
0x6: {  	s12 =	simm.s32 $0x80;
	s13 =	simm.s32 $0x8000;
	s14 =	simm.s32 $0xC000  }
0x7: {  	s15 =	simm.s32 $0x1;
	s16 =	simm.s32 $0x3;
	s17 =	simm.s32 $0x4000  }
0x8: {  	s18 =	simm.s32 $0x2;
	s19 =	simm.s32 $0x4;
	s20 =	simm.s32 $0x5  }
0x9: {  	s21 =	simm.s32 $0x6;
	s22 =	simm.s32 $0x0;
	[smem:$0x7FF] =	sst s3  }
0xa: {  	s6 =	sand.u32 $0x1, s4;
	s4 =	sadd.s32 $0xE00, s0;
	s9 =	sshll.u32 s10, $0x1  }
.Ltmp0:
0xb: {  	s5 =	sadd.s32 $0x400E00, s0;
	p0 =	sne.s32 s10, $0x0;
	(pc) =	sbr.rel .LBB2_1-.Ltmp0, $4  }
0xc: {  	s10 =	simm.s32 $0x10000;
	s8 =	ssub.s32 $0x2, s6;
	s6 =	sor.u32 s6, s9  }
0xd: {  	_ =	strace $0x80000047;
	s30 =	sshrl.u32 s8, $0x1;
	s31 =	sshll.u32 s6, $0xA  }
0xe: {  	s9 =	sshll.u32 s6, $0x11;
	s6 =	sshll.u32 s6, $0x6;
	s0 =	ssub.s32 s8, s30  }
0xf: {  	s7 =	sadd.s32 s7, s31;
	s8 =	sadd.s32 s4, s9;
	s9 =	smax.u32 s0, $0x1  }
.LBB2_8:
0x10: {  	s22 =	sadd.s32 $0x1, s22  }
0x11: {  	p1 =	sne.s32 s22, s9  }
.Ltmp1:
0x12: {  	_ = 	snop;
	(pc) =	sbr.rel @!p1 .LBB2_9-.Ltmp1, $4  }
0x13: {  	_ = 	snop  }
0x14: {  	_ =	swait.ge [sflag:s21], $0x4000  }
0x15: {  	[sflag:s21] =	ssyncset.done $0x0  }
0x16: {  	[sflag:s21] =	ssyncadd.s32 $0xFFFFC000  }
.LBB2_1:
0x17: {  	[tilespmem:s10], [sflag:$0x7] =	stream.linear.gather [hbm4b:s7+s3], $0x2000, $0x38;
	[tilespmem:$0x12880] =	vst v63  }
0x18: {  	_ =	swait.ge [sflag:s11], $0x2000  }
0x19: {  	[sflag:s11] =	ssyncset.done $0x0  }
0x1a: {  	s0 =	simm.s32 @!p0 $0x0;
	s23 =	simm.s32 @!p0 $0x12000;
	[sflag:s11] =	ssyncadd.s32 $0xFFFFE000  }
0x1b: {  	[tilespmem:s23], [sflag:$0x7] =	stream.linear.gather @!p0 [hbm4b:s1+s0], $0x800, $0x38;
	[tilespmem:$0x12880] =	vst v63  }
0x1c: {  	s0 =	simm.s32 @!p0 $0x7  }
0x1d: {  	_ =	swait.ge @!p0 [sflag:s0], $0x800  }
0x1e: {  	[sflag:s0] =	ssyncset.done @!p0 $0x0  }
0x1f: {  	[sflag:s0] =	ssyncadd.s32 @!p0 $0xFFFFF800  }
0x20: {  	[spmem:s2] =	stream.linear.scatter @!p0 [tilespmem:s23], [sflag:$0x7], $0x800, $0x38;
	[tilespmem:$0x12880] =	vst v63  }
0x21: {  	_ =	swait.ge @!p0 [sflag:s0], $0x800  }
0x22: {  	[sflag:s0] =	ssyncset.done @!p0 $0x0  }
0x23: {  	[sflag:s0] =	ssyncadd.s32 @!p0 $0xFFFFF800  }
0x24: {  	[bflag:$0x0] =	sbarrier.arrive $0xFFFF  }
0x25: {  	[tilespmem:s3], [sflag:$0x1] =	stream.linear.gather [hbm4b:s8+s3], $0x4000, $0x38;
	[tilespmem:$0x12880] =	vst v63  }
0x26: {  	s23 =	simm.s32 $0x0  }
0x27: {  	[tilespmem:s13], [sflag:$0x3] =	stream.indirect.gather [spmem:s2], $0x80, s10, s12, $0xb8;
	[tilespmem:$0x12880] =	vst v63  }
.LBB2_2:
0x28: {  	s24 =	sshllo.u32 s23, $0x1  }
0x29: {  	s0 =	sshll.u32 s24, $0x7  }
0x2a: {  	s0 =	sand.u32 $0x3FFFFF80, s0  }
0x2b: {  	s0 =	sadd.s32 $0x10000, s0  }
0x2c: {  	[tilespmem:s14], [sflag:$0x4] =	stream.indirect.gather [spmem:s2], $0x80, s0, s12, $0xb8;
	[tilespmem:$0x12880] =	vst v63  }
0x2d: {  	_ =	swait.ge [sflag:s15], $0x4000  }
0x2e: {  	[sflag:s15] =	ssyncset.done $0x0  }
0x2f: {  	[sflag:s15] =	ssyncadd.s32 $0xFFFFC000  }
0x30: {  	_ =	swait.ge [sflag:s16], $0x4000  }
0x31: {  	[sflag:s16] =	ssyncset.done $0x0  }
0x32: {  	s25 =	simm.s32 $0x100;
	[sflag:s16] =	ssyncadd.s32 $0xFFFFC000  }
0x33: {  	s29 =	simm.s32 $0x8100;
	v0 =	vld [tilespmem:s25+$0x80]  }
0x34: {  	v1 =	vld [tilespmem:s29+$0x80]  }
0x35: {  	v2 =	vld [tilespmem:s29+$0xC0]  }
0x36: {  	v3 =	vld [tilespmem:s29+$0xFFFFFF00]  }
0x37: {  	v4 =	vld [tilespmem:s29+$0xFFFFFF80]  }
0x38: {  	v5 =	vld [tilespmem:s29+$0xFFFFFF40]  }
0x39: {  	v7 =	vld [tilespmem:s25+$0x0]  }
0x3a: {  	v9 =	vld [tilespmem:s29+$0x0]  }
0x3b: {  	v10 =	vld [tilespmem:s29+$0x40]  }
0x3c: {  	v11 =	vld [tilespmem:s25+$0xFFFFFF30]  }
0x3d: {  	s28 =	simm.s32 $0x8300;
	v12 =	vld [tilespmem:s25+$0x30]  }
0x3e: {  	v14 =	vld [tilespmem:s28+$0xFFFFFF80];
	v0 =	vmul.f32 v1, v0  }
0x3f: {  	v15 =	vld [tilespmem:s28+$0xFFFFFF40]  }
0x40: {  	s26 =	simm.s32 $0x300;
	v0 =	vadd.f32 v2, v0;
	v2 =	vld [tilespmem:s25+$0xFFFFFF00]  }
0x41: {  	v17 =	vld [tilespmem:s26+$0x0]  }
0x42: {  	[tilespmem:s25+$0x80] =	vst v0;
	v0 =	vld [tilespmem:s25+$0x90]  }
0x43: {  	v6 =	vld [tilespmem:s29+$0x90]  }
0x44: {  	v19 =	vld [tilespmem:s28+$0x0]  }
0x45: {  	v8 =	vld [tilespmem:s29+$0xD0];
	v2 =	vmul.f32 v3, v2  }
0x46: {  	v1 =	vld [tilespmem:s25+$0xFFFFFF80]  }
0x47: {  	v3 =	vld [tilespmem:s29+$0xFFFFFFC0];
	v2 =	vadd.f32 v5, v2  }
0x48: {  	v5 =	vld [tilespmem:s25+$0xFFFFFF10];
	v0 =	vmul.f32 v6, v0  }
0x49: {  	v6 =	vld [tilespmem:s25+$0xFFFFFF90];
	[tilespmem:s25+$0xFFFFFF00] =	vst v2  }
0x4a: {  	v0 =	vadd.f32 v8, v0;
	v2 =	vld [tilespmem:s29+$0xFFFFFF10]  }
0x4b: {  	v1 =	vmul.f32 v4, v1;
	v4 =	vld [tilespmem:s29+$0xFFFFFF50]  }
0x4c: {  	v8 =	vld [tilespmem:s25+$0x10];
	[tilespmem:s25+$0x90] =	vst v0;
	v0 =	vmul.f32 v9, v7  }
0x4d: {  	v1 =	vadd.f32 v3, v1;
	v7 =	vld [tilespmem:s25+$0xA0]  }
0x4e: {  	v3 =	vld [tilespmem:s29+$0xA0];
	v0 =	vadd.f32 v10, v0  }
0x4f: {  	[tilespmem:s25+$0xFFFFFF80] =	vst v1;
	v1 =	vmul.f32 v2, v5;
	v2 =	vld [tilespmem:s29+$0xE0]  }
0x50: {  	[tilespmem:s25+$0x0] =	vst v0;
	v0 =	vld [tilespmem:s29+$0xFFFFFF90]  }
0x51: {  	v5 =	vld [tilespmem:s29+$0x10]  }
0x52: {  	v1 =	vadd.f32 v4, v1;
	v4 =	vld [tilespmem:s29+$0xFFFFFFD0]  }
0x53: {  	v3 =	vmul.f32 v3, v7;
	v7 =	vld [tilespmem:s29+$0x50]  }
0x54: {  	v20 =	vld [tilespmem:s28+$0x40]  }
0x55: {  	[tilespmem:s25+$0xFFFFFF10] =	vst v1;
	v1 =	vld [tilespmem:s25+$0xFFFFFF20];
	v0 =	vmul.f32 v0, v6  }
0x56: {  	v2 =	vadd.f32 v2, v3;
	v3 =	vld [tilespmem:s29+$0xFFFFFF20];
	v5 =	vmul.f32 v5, v8  }
0x57: {  	v9 =	vld [tilespmem:s25+$0xFFFFFFA0];
	v0 =	vadd.f32 v4, v0  }
0x58: {  	v4 =	vld [tilespmem:s25+$0x20];
	v5 =	vadd.f32 v7, v5  }
0x59: {  	[tilespmem:s25+$0xFFFFFF90] =	vst v0;
	v0 =	vld [tilespmem:s29+$0xFFFFFF60]  }
0x5a: {  	[tilespmem:s25+$0x10] =	vst v5;
	v5 =	vld [tilespmem:s29+$0xFFFFFFA0]  }
0x5b: {  	v1 =	vmul.f32 v3, v1;
	v3 =	vld [tilespmem:s29+$0xFFFFFFE0]  }
0x5c: {  	v8 =	vld [tilespmem:s29+$0x20]  }
0x5d: {  	v48 =	vld [tilespmem:s26+$0xFFFFFF10]  }
0x5e: {  	v10 =	vld [tilespmem:s29+$0x60]  }
0x5f: {  	v49 =	vld [tilespmem:s26+$0xFFFFFF90];
	v0 =	vadd.f32 v0, v1;
	v1 =	vmul.f32 v5, v9  }
0x60: {  	v51 =	vld [tilespmem:s26+$0xA0]  }
0x61: {  	v52 =	vld [tilespmem:s26+$0x10];
	[tilespmem:s25+$0xFFFFFF20] =	vst v0;
	v0 =	vmul.f32 v8, v4;
	v1 =	vadd.f32 v3, v1  }
0x62: {  	v3 =	vld [tilespmem:s26+$0x80]  }
0x63: {  	v0 =	vadd.f32 v10, v0;
	[tilespmem:s25+$0xFFFFFFA0] =	vst v1;
	v1 =	vld [tilespmem:s28+$0x80]  }
0x64: {  	v56 =	vld [tilespmem:s26+$0xFFFFFFA0]  }
0x65: {  	[tilespmem:s25+$0x20] =	vst v0;
	v0 =	vld [tilespmem:s28+$0xC0]  }
0x66: {  	v57 =	vld [tilespmem:s26+$0xB0]  }
0x67: {  	[tilespmem:s25+$0xA0] =	vst v2;
	v2 =	vld [tilespmem:s25+$0xB0]  }
0x68: {  	v6 =	vld [tilespmem:s29+$0xB0];
	v1 =	vmul.f32 v1, v3  }
0x69: {  	v7 =	vld [tilespmem:s29+$0xF0]  }
0x6a: {  	v4 =	vld [tilespmem:s28+$0xFFFFFF00];
	v0 =	vadd.f32 v0, v1  }
0x6b: {  	v1 =	vld [tilespmem:s26+$0xFFFFFF00]  }
0x6c: {  	[tilespmem:s26+$0x80] =	vst v0;
	v0 =	vld [tilespmem:s26+$0x90]  }
0x6d: {  	v16 =	vld [tilespmem:s28+$0x90]  }
0x6e: {  	v59 =	vld [tilespmem:s26+$0x20]  }
0x6f: {  	v2 =	vmul.f32 v6, v2;
	v18 =	vld [tilespmem:s28+$0xD0]  }
0x70: {  	v3 =	vld [tilespmem:s26+$0xFFFFFF80]  }
0x71: {  	v7 =	vadd.f32 v7, v2;
	v2 =	vld [tilespmem:s26+$0xFFFFFFB0];
	v1 =	vmul.f32 v4, v1  }
0x72: {  	v4 =	vld [tilespmem:s28+$0xFFFFFFC0];
	v0 =	vmul.f32 v16, v0  }
0x73: {  	v9 =	vld [tilespmem:s25+$0xFFFFFFB0];
	v1 =	vadd.f32 v15, v1  }
0x74: {  	v5 =	vld [tilespmem:s29+$0xFFFFFF30];
	v0 =	vadd.f32 v18, v0  }
0x75: {  	v13 =	vld [tilespmem:s29+$0xFFFFFF70];
	v3 =	vmul.f32 v14, v3;
	[tilespmem:s26+$0xFFFFFF00] =	vst v1  }
0x76: {  	v1 =	vld [tilespmem:s28+$0xFFFFFF10];
	[tilespmem:s26+$0x90] =	vst v0;
	v0 =	vmul.f32 v19, v17  }
0x77: {  	v3 =	vadd.f32 v4, v3;
	v4 =	vld [tilespmem:s28+$0xA0]  }
0x78: {  	v50 =	vld [tilespmem:s28+$0xFFFFFF50];
	v0 =	vadd.f32 v20, v0  }
0x79: {  	[tilespmem:s26+$0xFFFFFF80] =	vst v3;
	v3 =	vld [tilespmem:s28+$0xE0]  }
0x7a: {  	[tilespmem:s26+$0x0] =	vst v0;
	v0 =	vld [tilespmem:s28+$0xFFFFFF90]  }
0x7b: {  	v1 =	vmul.f32 v1, v48;
	v53 =	vld [tilespmem:s28+$0x10]  }
0x7c: {  	v54 =	vld [tilespmem:s28+$0xFFFFFFD0];
	v4 =	vmul.f32 v4, v51  }
0x7d: {  	v1 =	vadd.f32 v50, v1;
	v55 =	vld [tilespmem:s28+$0x50]  }
0x7e: {  	v8 =	vld [tilespmem:s29+$0xFFFFFFB0];
	v3 =	vadd.f32 v3, v4  }
0x7f: {  	v63 =	vld [tilespmem:s29+$0xFFFFFFF0];
	[tilespmem:s26+$0xFFFFFF10] =	vst v1;
	v0 =	vmul.f32 v0, v49  }
0x80: {  	v1 =	vld [tilespmem:s26+$0xFFFFFF20];
	[tilespmem:s26+$0xA0] =	vst v3;
	v3 =	vmul.f32 v53, v52  }
0x81: {  	v4 =	vld [tilespmem:s28+$0xFFFFFF20];
	v0 =	vadd.f32 v54, v0  }
0x82: {  	v61 =	vld [tilespmem:s28+$0xFFFFFF60];
	v3 =	vadd.f32 v55, v3  }
0x83: {  	v58 =	vld [tilespmem:s28+$0xB0];
	[tilespmem:s26+$0xFFFFFF90] =	vst v0  }
0x84: {  	[tilespmem:s26+$0x10] =	vst v3;
	v3 =	vld [tilespmem:s28+$0xFFFFFFA0]  }
0x85: {  	v60 =	vld [tilespmem:s28+$0x20]  }
0x86: {  	v62 =	vld [tilespmem:s28+$0xFFFFFFE0]  }
0x87: {  	v6 =	vld [tilespmem:s28+$0x60]  }
0x88: {  	v10 =	vld [tilespmem:s29+$0x30];
	v1 =	vmul.f32 v4, v1  }
0x89: {  	v0 =	vld [tilespmem:s28+$0xF0];
	v16 =	vmul.f32 v3, v56  }
0x8a: {  	[tilespmem:s25+$0xB0] =	vst v7;
	v7 =	vmul.f32 v5, v11;
	v5 =	vld [tilespmem:s29+$0x70];
	v1 =	vadd.f32 v61, v1;
	v17 =	vmul.f32 v60, v59  }
0x8b: {  	v4 =	vld [tilespmem:s26+$0xFFFFFF30];
	v11 =	vadd.f32 v62, v16  }
0x8c: {  	v14 =	vmul.f32 v58, v57;
	[tilespmem:s26+$0xFFFFFF20] =	vst v1;
	v3 =	vld [tilespmem:s26+$0x30];
	v1 =	vadd.f32 v6, v17  }
0x8d: {  	v6 =	vadd.f32 v13, v7;
	v7 =	vld [tilespmem:s28+$0xFFFFFF30];
	[tilespmem:s26+$0xFFFFFFA0] =	vst v11  }
0x8e: {  	v11 =	vmul.f32 v8, v9;
	v9 =	vadd.f32 v0, v14;
	[tilespmem:s26+$0x20] =	vst v1;
	v8 =	vld [tilespmem:s28+$0xFFFFFFB0]  }
0x8f: {  	s30 =	simm.s32 $0x4;
	v0 =	vmul.f32 v10, v12;
	[tilespmem:s25+$0xFFFFFF30] =	vst v6;
	v6 =	vld [tilespmem:s28+$0x30]  }
0x90: {  	s31 =	simm.s32 $0x500;
	s0 =	simm.s32 $0x8300;
	s29 =	sshll.u32 s23, $0x1;
	[tilespmem:s26+$0xB0] =	vst v9;
	v9 =	vld [tilespmem:s28+$0xFFFFFF70];
	v1 =	vadd.f32 v63, v11  }
.LBB2_3:
0x91: {  	v10 =	vld [tilespmem:s31+$0x80];
	s28 =	sadd.s32 $0x200, s28;
	v0 =	vadd.f32 v5, v0  }
0x92: {  	s30 =	sadd.s32 $0x4, s30;
	v5 =	vld [tilespmem:s28+$0x80];
	v4 =	vmul.f32 v7, v4;
	[tilespmem:s25+$0xFFFFFFB0] =	vst v1  }
0x93: {  	p1 =	slt.u32 s30, $0x7C;
	v7 =	vld [tilespmem:s28+$0xFFFFFF00];
	v1 =	vmul.f32 v8, v2;
	[tilespmem:s25+$0x30] =	vst v0;
	s25 =	smov.u32 s26;
	s26 =	smov.u32 s31  }
0x94: {  	v2 =	vld [tilespmem:s28+$0xC0];
	v0 =	vmul.f32 v6, v3  }
0x95: {  	v3 =	vld [tilespmem:s31+$0xFFFFFF80];
	v4 =	vadd.f32 v9, v4  }
0x96: {  	v6 =	vld [tilespmem:s28+$0xFFFFFF80]  }
0x97: {  	v8 =	vld [tilespmem:s31+$0x0];
	v5 =	vmul.f32 v5, v10;
	[tilespmem:s25+$0xFFFFFF30] =	vst v4  }
0x98: {  	v4 =	vld [tilespmem:s28+$0x0]  }
0x99: {  	v9 =	vld [tilespmem:s31+$0xFFFFFF00];
	v2 =	vadd.f32 v2, v5  }
0x9a: {  	v5 =	vld [tilespmem:s28+$0xFFFFFF40]  }
0x9b: {  	v3 =	vmul.f32 v6, v3;
	[tilespmem:s31+$0x80] =	vst v2;
	v2 =	vld [tilespmem:s31+$0x90]  }
0x9c: {  	v6 =	vld [tilespmem:s28+$0x90]  }
0x9d: {  	v10 =	vld [tilespmem:s28+$0xFFFFFFC0];
	v4 =	vmul.f32 v4, v8  }
0x9e: {  	v7 =	vmul.f32 v7, v9;
	v8 =	vld [tilespmem:s28+$0xD0]  }
0x9f: {  	v9 =	vld [tilespmem:s28+$0x40]  }
0xa0: {  	v5 =	vadd.f32 v5, v7;
	v7 =	vld [tilespmem:s31+$0xFFFFFF10]  }
0xa1: {  	v11 =	vld [tilespmem:s31+$0xFFFFFF90];
	v2 =	vmul.f32 v6, v2  }
0xa2: {  	[tilespmem:s31+$0xFFFFFF00] =	vst v5;
	v3 =	vadd.f32 v10, v3;
	v5 =	vld [tilespmem:s31+$0x10]  }
0xa3: {  	v6 =	vld [tilespmem:s28+$0xFFFFFF10];
	v2 =	vadd.f32 v8, v2  }
0xa4: {  	v8 =	vld [tilespmem:s28+$0xFFFFFF50];
	[tilespmem:s31+$0xFFFFFF80] =	vst v3;
	v3 =	vadd.f32 v9, v4  }
0xa5: {  	[tilespmem:s31+$0x90] =	vst v2;
	v2 =	vld [tilespmem:s31+$0xA0]  }
0xa6: {  	[tilespmem:s31+$0x0] =	vst v3;
	v3 =	vld [tilespmem:s28+$0xA0]  }
0xa7: {  	v4 =	vld [tilespmem:s28+$0xFFFFFF90]  }
0xa8: {  	v6 =	vmul.f32 v6, v7;
	v7 =	vld [tilespmem:s28+$0xE0]  }
0xa9: {  	v9 =	vld [tilespmem:s28+$0x10]  }
0xaa: {  	v6 =	vadd.f32 v8, v6;
	v8 =	vld [tilespmem:s28+$0xFFFFFFD0]  }
0xab: {  	v10 =	vld [tilespmem:s28+$0x50];
	v2 =	vmul.f32 v3, v2  }
0xac: {  	[tilespmem:s31+$0xFFFFFF10] =	vst v6;
	v3 =	vld [tilespmem:s31+$0xFFFFFF20];
	v4 =	vmul.f32 v4, v11  }
0xad: {  	v6 =	vld [tilespmem:s28+$0xFFFFFF20];
	v2 =	vadd.f32 v7, v2  }
0xae: {  	v7 =	vld [tilespmem:s31+$0xFFFFFFA0];
	v5 =	vmul.f32 v9, v5  }
0xaf: {  	v4 =	vadd.f32 v8, v4;
	[tilespmem:s31+$0xA0] =	vst v2;
	v2 =	vld [tilespmem:s31+$0xB0]  }
0xb0: {  	v5 =	vadd.f32 v10, v5;
	v8 =	vld [tilespmem:s28+$0xB0]  }
0xb1: {  	[tilespmem:s31+$0xFFFFFF90] =	vst v4;
	v9 =	vld [tilespmem:s31+$0x20]  }
0xb2: {  	v3 =	vmul.f32 v6, v3;
	[tilespmem:s31+$0x10] =	vst v5;
	v4 =	vld [tilespmem:s28+$0xF0]  }
0xb3: {  	v5 =	vld [tilespmem:s28+$0xFFFFFFA0]  }
0xb4: {  	v6 =	vld [tilespmem:s28+$0x20]  }
0xb5: {  	v10 =	vld [tilespmem:s28+$0xFFFFFF60];
	v2 =	vmul.f32 v8, v2  }
0xb6: {  	v8 =	vld [tilespmem:s28+$0xFFFFFFE0]  }
0xb7: {  	v11 =	vld [tilespmem:s28+$0x60];
	v12 =	vadd.f32 v4, v2  }
0xb8: {  	v4 =	vld [tilespmem:s31+$0xFFFFFF30];
	v5 =	vmul.f32 v5, v7  }
0xb9: {  	v2 =	vld [tilespmem:s31+$0xFFFFFFB0];
	v6 =	vmul.f32 v6, v9;
	[tilespmem:s31+$0xB0] =	vst v12  }
0xba: {  	v7 =	vadd.f32 v10, v3;
	v3 =	vld [tilespmem:s31+$0x30]  }
0xbb: {  	v8 =	vadd.f32 v8, v5;
	v10 =	vld [tilespmem:s0+$0xFFFFFFF0]  }
.Ltmp2:
0xbc: {  	[tilespmem:s31+$0xFFFFFF20] =	vst v7;
	v6 =	vadd.f32 v11, v6;
	v5 =	vld [tilespmem:s0+$0x70];
	s0 =	smov.u32 s28;
	(pc) =	sbr.rel @p1 .LBB2_3-.Ltmp2, $4  }
0xbd: {  	v7 =	vld [tilespmem:s28+$0xFFFFFF30];
	[tilespmem:s31+$0xFFFFFFA0] =	vst v8  }
0xbe: {  	v8 =	vld [tilespmem:s28+$0xFFFFFFB0];
	[tilespmem:s31+$0x20] =	vst v6  }
0xbf: {  	v6 =	vld [tilespmem:s28+$0x30]  }
0xc0: {  	s31 =	sadd.s32 $0x200, s31;
	v9 =	vld [tilespmem:s28+$0xFFFFFF70];
	v1 =	vadd.f32 v10, v1  }
0xc1: {  	v10 =	vld [tilespmem:s0+$0xFFFFFFF0]  }
0xc2: {  	v11 =	vld [tilespmem:s0+$0x70]  }
0xc3: {  	v4 =	vmul.f32 v7, v4  }
0xc4: {  	v0 =	vadd.f32 v5, v0;
	v2 =	vmul.f32 v8, v2  }
0xc5: {  	[tilespmem:s25+$0xFFFFFFB0] =	vst v1;
	v1 =	vmul.f32 v6, v3;
	v3 =	vadd.f32 v9, v4  }
0xc6: {  	[tilespmem:s25+$0x30] =	vst v0;
	v0 =	vadd.f32 v10, v2  }
0xc7: {  	s25 =	sadd.s32 s6, s29;
	v1 =	vadd.f32 v11, v1;
	[tilespmem:s26+$0xFFFFFF30] =	vst v3  }
0xc8: {  	s0 =	sshll.u32 s25, $0xB;
	[tilespmem:s26+$0xFFFFFFB0] =	vst v0  }
0xc9: {  	p1 =	seq.s32 s23, $0x0;
	s0 =	sadd.s32 s5, s0;
	[tilespmem:s26+$0x30] =	vst v1  }
0xca: {  	[hbm4b:s0+s3] =	stream.linear.scatter [tilespmem:s3], [sflag:$0x5], $0x4000, $0x38;
	[tilespmem:$0x12880] =	vst v63  }
0xcb: {  	s24 =	sadd.s32 s6, s24;
	s0 =	simm.s32 @!p1 $0x6  }
0xcc: {  	s24 =	sshll.u32 s24, $0xB;
	_ =	swait.ge @!p1 [sflag:s0], $0x4000  }
0xcd: {  	s25 =	sand.u32 $0x1FFFF800, s24;
	s24 =	sadd.s32 $0x2, s29;
	[sflag:s0] =	ssyncset.done @!p1 $0x0  }
0xce: {  	s26 =	sadd.s32 s4, s25;
	[sflag:s0] =	ssyncadd.s32 @!p1 $0xFFFFC000;
	p1 =	seq.s32 s23, $0x1F  }
0xcf: {  	[tilespmem:s17], [sflag:$0x2] =	stream.linear.gather [hbm4b:s26+s3], $0x4000, $0x38;
	[tilespmem:$0x12880] =	vst v63  }
0xd0: {  	s0 =	sshll.u32 @!p1 s24, $0x7  }
0xd1: {  	s0 =	sand.u32 @!p1 $0x3FFFFF80, s0  }
0xd2: {  	s26 =	simm.s32 @!p1 $0x80;
	s28 =	simm.s32 @!p1 $0x8000;
	s0 =	sadd.s32 @!p1 $0x10000, s0  }
0xd3: {  	[tilespmem:s28], [sflag:$0x3] =	stream.indirect.gather @!p1 [spmem:s2], $0x80, s0, s26, $0xb8;
	[tilespmem:$0x12880] =	vst v63  }
0xd4: {  	_ =	swait.ge [sflag:s18], $0x4000  }
0xd5: {  	[sflag:s18] =	ssyncset.done $0x0  }
0xd6: {  	[sflag:s18] =	ssyncadd.s32 $0xFFFFC000  }
0xd7: {  	_ =	swait.ge [sflag:s19], $0x4000  }
0xd8: {  	[sflag:s19] =	ssyncset.done $0x0  }
0xd9: {  	s26 =	simm.s32 $0x4100;
	[sflag:s19] =	ssyncadd.s32 $0xFFFFC000  }
0xda: {  	s30 =	simm.s32 $0xC100;
	v0 =	vld [tilespmem:s26+$0x80]  }
0xdb: {  	v1 =	vld [tilespmem:s30+$0x80]  }
0xdc: {  	v2 =	vld [tilespmem:s30+$0xC0]  }
0xdd: {  	v3 =	vld [tilespmem:s30+$0xFFFFFF00]  }
0xde: {  	v4 =	vld [tilespmem:s30+$0xFFFFFF80]  }
0xdf: {  	v5 =	vld [tilespmem:s30+$0xFFFFFF40]  }
0xe0: {  	v7 =	vld [tilespmem:s26+$0x0]  }
0xe1: {  	v9 =	vld [tilespmem:s30+$0x0]  }
0xe2: {  	v10 =	vld [tilespmem:s30+$0x40]  }
0xe3: {  	v11 =	vld [tilespmem:s26+$0xFFFFFF30]  }
0xe4: {  	s29 =	simm.s32 $0xC300;
	v12 =	vld [tilespmem:s26+$0x30]  }
0xe5: {  	v14 =	vld [tilespmem:s29+$0xFFFFFF80];
	v0 =	vmul.f32 v1, v0  }
0xe6: {  	v15 =	vld [tilespmem:s29+$0xFFFFFF40]  }
0xe7: {  	s28 =	simm.s32 $0x4300;
	v0 =	vadd.f32 v2, v0;
	v2 =	vld [tilespmem:s26+$0xFFFFFF00]  }
0xe8: {  	v17 =	vld [tilespmem:s28+$0x0]  }
0xe9: {  	[tilespmem:s26+$0x80] =	vst v0;
	v0 =	vld [tilespmem:s26+$0x90]  }
0xea: {  	v6 =	vld [tilespmem:s30+$0x90]  }
0xeb: {  	v19 =	vld [tilespmem:s29+$0x0]  }
0xec: {  	v8 =	vld [tilespmem:s30+$0xD0];
	v2 =	vmul.f32 v3, v2  }
0xed: {  	v1 =	vld [tilespmem:s26+$0xFFFFFF80]  }
0xee: {  	v3 =	vld [tilespmem:s30+$0xFFFFFFC0];
	v2 =	vadd.f32 v5, v2  }
0xef: {  	v5 =	vld [tilespmem:s26+$0xFFFFFF10];
	v0 =	vmul.f32 v6, v0  }
0xf0: {  	v6 =	vld [tilespmem:s26+$0xFFFFFF90];
	[tilespmem:s26+$0xFFFFFF00] =	vst v2  }
0xf1: {  	v0 =	vadd.f32 v8, v0;
	v2 =	vld [tilespmem:s30+$0xFFFFFF10]  }
0xf2: {  	v1 =	vmul.f32 v4, v1;
	v4 =	vld [tilespmem:s30+$0xFFFFFF50]  }
0xf3: {  	v8 =	vld [tilespmem:s26+$0x10];
	[tilespmem:s26+$0x90] =	vst v0;
	v0 =	vmul.f32 v9, v7  }
0xf4: {  	v1 =	vadd.f32 v3, v1;
	v7 =	vld [tilespmem:s26+$0xA0]  }
0xf5: {  	v3 =	vld [tilespmem:s30+$0xA0];
	v0 =	vadd.f32 v10, v0  }
0xf6: {  	[tilespmem:s26+$0xFFFFFF80] =	vst v1;
	v1 =	vmul.f32 v2, v5;
	v2 =	vld [tilespmem:s30+$0xE0]  }
0xf7: {  	[tilespmem:s26+$0x0] =	vst v0;
	v0 =	vld [tilespmem:s30+$0xFFFFFF90]  }
0xf8: {  	v5 =	vld [tilespmem:s30+$0x10]  }
0xf9: {  	v1 =	vadd.f32 v4, v1;
	v4 =	vld [tilespmem:s30+$0xFFFFFFD0]  }
0xfa: {  	v3 =	vmul.f32 v3, v7;
	v7 =	vld [tilespmem:s30+$0x50]  }
0xfb: {  	v20 =	vld [tilespmem:s29+$0x40]  }
0xfc: {  	[tilespmem:s26+$0xFFFFFF10] =	vst v1;
	v1 =	vld [tilespmem:s26+$0xFFFFFF20];
	v0 =	vmul.f32 v0, v6  }
0xfd: {  	v2 =	vadd.f32 v2, v3;
	v3 =	vld [tilespmem:s30+$0xFFFFFF20];
	v5 =	vmul.f32 v5, v8  }
0xfe: {  	v9 =	vld [tilespmem:s26+$0xFFFFFFA0];
	v0 =	vadd.f32 v4, v0  }
0xff: {  	v4 =	vld [tilespmem:s26+$0x20];
	v5 =	vadd.f32 v7, v5  }
0x100: {  	[tilespmem:s26+$0xFFFFFF90] =	vst v0;
	v0 =	vld [tilespmem:s30+$0xFFFFFF60]  }
0x101: {  	[tilespmem:s26+$0x10] =	vst v5;
	v5 =	vld [tilespmem:s30+$0xFFFFFFA0]  }
0x102: {  	v1 =	vmul.f32 v3, v1;
	v3 =	vld [tilespmem:s30+$0xFFFFFFE0]  }
0x103: {  	v8 =	vld [tilespmem:s30+$0x20]  }
0x104: {  	v48 =	vld [tilespmem:s28+$0xFFFFFF10]  }
0x105: {  	v10 =	vld [tilespmem:s30+$0x60]  }
0x106: {  	v49 =	vld [tilespmem:s28+$0xFFFFFF90];
	v0 =	vadd.f32 v0, v1;
	v1 =	vmul.f32 v5, v9  }
0x107: {  	v51 =	vld [tilespmem:s28+$0xA0]  }
0x108: {  	v52 =	vld [tilespmem:s28+$0x10];
	[tilespmem:s26+$0xFFFFFF20] =	vst v0;
	v0 =	vmul.f32 v8, v4;
	v1 =	vadd.f32 v3, v1  }
0x109: {  	v3 =	vld [tilespmem:s28+$0x80]  }
0x10a: {  	v0 =	vadd.f32 v10, v0;
	[tilespmem:s26+$0xFFFFFFA0] =	vst v1;
	v1 =	vld [tilespmem:s29+$0x80]  }
0x10b: {  	v56 =	vld [tilespmem:s28+$0xFFFFFFA0]  }
0x10c: {  	[tilespmem:s26+$0x20] =	vst v0;
	v0 =	vld [tilespmem:s29+$0xC0]  }
0x10d: {  	v57 =	vld [tilespmem:s28+$0xB0]  }
0x10e: {  	[tilespmem:s26+$0xA0] =	vst v2;
	v2 =	vld [tilespmem:s26+$0xB0]  }
0x10f: {  	v6 =	vld [tilespmem:s30+$0xB0];
	v1 =	vmul.f32 v1, v3  }
0x110: {  	v7 =	vld [tilespmem:s30+$0xF0]  }
0x111: {  	v4 =	vld [tilespmem:s29+$0xFFFFFF00];
	v0 =	vadd.f32 v0, v1  }
0x112: {  	v1 =	vld [tilespmem:s28+$0xFFFFFF00]  }
0x113: {  	[tilespmem:s28+$0x80] =	vst v0;
	v0 =	vld [tilespmem:s28+$0x90]  }
0x114: {  	v16 =	vld [tilespmem:s29+$0x90]  }
0x115: {  	v59 =	vld [tilespmem:s28+$0x20]  }
0x116: {  	v2 =	vmul.f32 v6, v2;
	v18 =	vld [tilespmem:s29+$0xD0]  }
0x117: {  	v3 =	vld [tilespmem:s28+$0xFFFFFF80]  }
0x118: {  	v7 =	vadd.f32 v7, v2;
	v2 =	vld [tilespmem:s28+$0xFFFFFFB0];
	v1 =	vmul.f32 v4, v1  }
0x119: {  	v4 =	vld [tilespmem:s29+$0xFFFFFFC0];
	v0 =	vmul.f32 v16, v0  }
0x11a: {  	v9 =	vld [tilespmem:s26+$0xFFFFFFB0];
	v1 =	vadd.f32 v15, v1  }
0x11b: {  	v5 =	vld [tilespmem:s30+$0xFFFFFF30];
	v0 =	vadd.f32 v18, v0  }
0x11c: {  	v8 =	vld [tilespmem:s30+$0xFFFFFF70];
	v3 =	vmul.f32 v14, v3;
	[tilespmem:s28+$0xFFFFFF00] =	vst v1  }
0x11d: {  	v1 =	vld [tilespmem:s29+$0xFFFFFF10];
	[tilespmem:s28+$0x90] =	vst v0;
	v0 =	vmul.f32 v19, v17  }
0x11e: {  	v3 =	vadd.f32 v4, v3;
	v4 =	vld [tilespmem:s29+$0xA0]  }
0x11f: {  	v50 =	vld [tilespmem:s29+$0xFFFFFF50];
	v0 =	vadd.f32 v20, v0  }
0x120: {  	[tilespmem:s28+$0xFFFFFF80] =	vst v3;
	v3 =	vld [tilespmem:s29+$0xE0]  }
0x121: {  	[tilespmem:s28+$0x0] =	vst v0;
	v0 =	vld [tilespmem:s29+$0xFFFFFF90]  }
0x122: {  	v1 =	vmul.f32 v1, v48;
	v53 =	vld [tilespmem:s29+$0x10]  }
0x123: {  	v54 =	vld [tilespmem:s29+$0xFFFFFFD0];
	v4 =	vmul.f32 v4, v51  }
0x124: {  	v1 =	vadd.f32 v50, v1;
	v55 =	vld [tilespmem:s29+$0x50]  }
0x125: {  	v10 =	vld [tilespmem:s30+$0xFFFFFFB0];
	v3 =	vadd.f32 v3, v4  }
0x126: {  	v63 =	vld [tilespmem:s30+$0xFFFFFFF0];
	[tilespmem:s28+$0xFFFFFF10] =	vst v1;
	v0 =	vmul.f32 v0, v49  }
0x127: {  	v1 =	vld [tilespmem:s28+$0xFFFFFF20];
	[tilespmem:s28+$0xA0] =	vst v3;
	v3 =	vmul.f32 v53, v52  }
0x128: {  	v4 =	vld [tilespmem:s29+$0xFFFFFF20];
	v0 =	vadd.f32 v54, v0  }
0x129: {  	v61 =	vld [tilespmem:s29+$0xFFFFFF60];
	v3 =	vadd.f32 v55, v3  }
0x12a: {  	v58 =	vld [tilespmem:s29+$0xB0];
	[tilespmem:s28+$0xFFFFFF90] =	vst v0  }
0x12b: {  	[tilespmem:s28+$0x10] =	vst v3;
	v3 =	vld [tilespmem:s29+$0xFFFFFFA0]  }
0x12c: {  	v60 =	vld [tilespmem:s29+$0x20]  }
0x12d: {  	v62 =	vld [tilespmem:s29+$0xFFFFFFE0]  }
0x12e: {  	v6 =	vld [tilespmem:s29+$0x60]  }
0x12f: {  	v13 =	vld [tilespmem:s30+$0x30];
	v1 =	vmul.f32 v4, v1  }
0x130: {  	v0 =	vld [tilespmem:s29+$0xF0];
	v16 =	vmul.f32 v3, v56  }
0x131: {  	[tilespmem:s26+$0xB0] =	vst v7;
	v7 =	vmul.f32 v5, v11;
	v5 =	vld [tilespmem:s30+$0x70];
	v1 =	vadd.f32 v61, v1;
	v17 =	vmul.f32 v60, v59  }
0x132: {  	v4 =	vld [tilespmem:s28+$0xFFFFFF30];
	v11 =	vadd.f32 v62, v16  }
0x133: {  	v14 =	vmul.f32 v58, v57;
	[tilespmem:s28+$0xFFFFFF20] =	vst v1;
	v3 =	vld [tilespmem:s28+$0x30];
	v1 =	vadd.f32 v6, v17  }
0x134: {  	v6 =	vadd.f32 v8, v7;
	v8 =	vld [tilespmem:s29+$0xFFFFFF30];
	[tilespmem:s28+$0xFFFFFFA0] =	vst v11  }
0x135: {  	v10 =	vmul.f32 v10, v9;
	v7 =	vadd.f32 v0, v14;
	[tilespmem:s28+$0x20] =	vst v1;
	v9 =	vld [tilespmem:s29+$0xFFFFFFB0]  }
0x136: {  	v0 =	vmul.f32 v13, v12;
	[tilespmem:s26+$0xFFFFFF30] =	vst v6;
	v6 =	vld [tilespmem:s29+$0x30]  }
0x137: {  	s31 =	simm.s32 $0x4500;
	s0 =	simm.s32 $0xC300;
	s30 =	simm.s32 $0x4;
	[tilespmem:s28+$0xB0] =	vst v7;
	v7 =	vld [tilespmem:s29+$0xFFFFFF70];
	v1 =	vadd.f32 v63, v10  }
.LBB2_5:
0x138: {  	v10 =	vld [tilespmem:s31+$0x80];
	s29 =	sadd.s32 $0x200, s29;
	v0 =	vadd.f32 v5, v0  }
0x139: {  	s30 =	sadd.s32 $0x4, s30;
	v5 =	vld [tilespmem:s29+$0x80];
	v4 =	vmul.f32 v8, v4;
	[tilespmem:s26+$0xFFFFFFB0] =	vst v1  }
0x13a: {  	p2 =	slt.u32 s30, $0x7C;
	v8 =	vld [tilespmem:s29+$0xFFFFFF00];
	v1 =	vmul.f32 v9, v2;
	[tilespmem:s26+$0x30] =	vst v0;
	s26 =	smov.u32 s28;
	s28 =	smov.u32 s31  }
0x13b: {  	v2 =	vld [tilespmem:s29+$0xC0];
	v0 =	vmul.f32 v6, v3  }
0x13c: {  	v3 =	vld [tilespmem:s31+$0xFFFFFF80];
	v4 =	vadd.f32 v7, v4  }
0x13d: {  	v6 =	vld [tilespmem:s29+$0xFFFFFF80]  }
0x13e: {  	v7 =	vld [tilespmem:s31+$0x0];
	v5 =	vmul.f32 v5, v10;
	[tilespmem:s26+$0xFFFFFF30] =	vst v4  }
0x13f: {  	v4 =	vld [tilespmem:s29+$0x0]  }
0x140: {  	v9 =	vld [tilespmem:s31+$0xFFFFFF00];
	v2 =	vadd.f32 v2, v5  }
0x141: {  	v5 =	vld [tilespmem:s29+$0xFFFFFF40]  }
0x142: {  	v3 =	vmul.f32 v6, v3;
	[tilespmem:s31+$0x80] =	vst v2;
	v2 =	vld [tilespmem:s31+$0x90]  }
0x143: {  	v6 =	vld [tilespmem:s29+$0x90]  }
0x144: {  	v10 =	vld [tilespmem:s29+$0xFFFFFFC0];
	v4 =	vmul.f32 v4, v7  }
0x145: {  	v7 =	vmul.f32 v8, v9;
	v8 =	vld [tilespmem:s29+$0xD0]  }
0x146: {  	v9 =	vld [tilespmem:s29+$0x40]  }
0x147: {  	v5 =	vadd.f32 v5, v7;
	v7 =	vld [tilespmem:s31+$0xFFFFFF10]  }
0x148: {  	v11 =	vld [tilespmem:s31+$0xFFFFFF90];
	v2 =	vmul.f32 v6, v2  }
0x149: {  	[tilespmem:s31+$0xFFFFFF00] =	vst v5;
	v3 =	vadd.f32 v10, v3;
	v5 =	vld [tilespmem:s31+$0x10]  }
0x14a: {  	v6 =	vld [tilespmem:s29+$0xFFFFFF10];
	v2 =	vadd.f32 v8, v2  }
0x14b: {  	v8 =	vld [tilespmem:s29+$0xFFFFFF50];
	[tilespmem:s31+$0xFFFFFF80] =	vst v3;
	v3 =	vadd.f32 v9, v4  }
0x14c: {  	[tilespmem:s31+$0x90] =	vst v2;
	v2 =	vld [tilespmem:s31+$0xA0]  }
0x14d: {  	[tilespmem:s31+$0x0] =	vst v3;
	v3 =	vld [tilespmem:s29+$0xA0]  }
0x14e: {  	v4 =	vld [tilespmem:s29+$0xFFFFFF90]  }
0x14f: {  	v6 =	vmul.f32 v6, v7;
	v7 =	vld [tilespmem:s29+$0xE0]  }
0x150: {  	v9 =	vld [tilespmem:s29+$0x10]  }
0x151: {  	v6 =	vadd.f32 v8, v6;
	v8 =	vld [tilespmem:s29+$0xFFFFFFD0]  }
0x152: {  	v10 =	vld [tilespmem:s29+$0x50];
	v2 =	vmul.f32 v3, v2  }
0x153: {  	[tilespmem:s31+$0xFFFFFF10] =	vst v6;
	v3 =	vld [tilespmem:s31+$0xFFFFFF20];
	v4 =	vmul.f32 v4, v11  }
0x154: {  	v6 =	vld [tilespmem:s29+$0xFFFFFF20];
	v2 =	vadd.f32 v7, v2  }
0x155: {  	v7 =	vld [tilespmem:s31+$0xFFFFFFA0];
	v5 =	vmul.f32 v9, v5  }
0x156: {  	v4 =	vadd.f32 v8, v4;
	[tilespmem:s31+$0xA0] =	vst v2;
	v2 =	vld [tilespmem:s31+$0xB0]  }
0x157: {  	v5 =	vadd.f32 v10, v5;
	v8 =	vld [tilespmem:s29+$0xB0]  }
0x158: {  	[tilespmem:s31+$0xFFFFFF90] =	vst v4;
	v9 =	vld [tilespmem:s31+$0x20]  }
0x159: {  	v3 =	vmul.f32 v6, v3;
	[tilespmem:s31+$0x10] =	vst v5;
	v4 =	vld [tilespmem:s29+$0xF0]  }
0x15a: {  	v5 =	vld [tilespmem:s29+$0xFFFFFFA0]  }
0x15b: {  	v6 =	vld [tilespmem:s29+$0x20]  }
0x15c: {  	v10 =	vld [tilespmem:s29+$0xFFFFFF60];
	v2 =	vmul.f32 v8, v2  }
0x15d: {  	v8 =	vld [tilespmem:s29+$0xFFFFFFE0]  }
0x15e: {  	v11 =	vld [tilespmem:s29+$0x60];
	v12 =	vadd.f32 v4, v2  }
0x15f: {  	v4 =	vld [tilespmem:s31+$0xFFFFFF30];
	v5 =	vmul.f32 v5, v7  }
0x160: {  	v2 =	vld [tilespmem:s31+$0xFFFFFFB0];
	v6 =	vmul.f32 v6, v9;
	[tilespmem:s31+$0xB0] =	vst v12  }
0x161: {  	v7 =	vadd.f32 v10, v3;
	v3 =	vld [tilespmem:s31+$0x30]  }
0x162: {  	v9 =	vadd.f32 v8, v5;
	v10 =	vld [tilespmem:s0+$0xFFFFFFF0]  }
.Ltmp3:
0x163: {  	[tilespmem:s31+$0xFFFFFF20] =	vst v7;
	v6 =	vadd.f32 v11, v6;
	v5 =	vld [tilespmem:s0+$0x70];
	s0 =	smov.u32 s29;
	(pc) =	sbr.rel @p2 .LBB2_5-.Ltmp3, $4  }
0x164: {  	v8 =	vld [tilespmem:s29+$0xFFFFFF30];
	[tilespmem:s31+$0xFFFFFFA0] =	vst v9  }
0x165: {  	v9 =	vld [tilespmem:s29+$0xFFFFFFB0];
	[tilespmem:s31+$0x20] =	vst v6  }
0x166: {  	v6 =	vld [tilespmem:s29+$0x30]  }
0x167: {  	s31 =	sadd.s32 $0x200, s31;
	v7 =	vld [tilespmem:s29+$0xFFFFFF70];
	v1 =	vadd.f32 v10, v1  }
0x168: {  	v10 =	vld [tilespmem:s0+$0xFFFFFFF0]  }
0x169: {  	v11 =	vld [tilespmem:s0+$0x70]  }
0x16a: {  	v4 =	vmul.f32 v8, v4  }
0x16b: {  	v0 =	vadd.f32 v5, v0;
	v2 =	vmul.f32 v9, v2  }
0x16c: {  	[tilespmem:s26+$0xFFFFFFB0] =	vst v1;
	v61 =	vmul.f32 v6, v3;
	v62 =	vadd.f32 v7, v4  }
0x16d: {  	[tilespmem:s26+$0x30] =	vst v0;
	v63 =	vadd.f32 v10, v2  }
0x16e: {  	v1 =	vadd.f32 v11, v61;
	[tilespmem:s28+$0xFFFFFF30] =	vst v62  }
0x16f: {  	[tilespmem:s28+$0xFFFFFFB0] =	vst v63  }
.Ltmp4:
0x170: {  	s31 =	sadd.s32 s5, s25;
	[tilespmem:s28+$0x30] =	vst v1;
	(pc) =	sbr.rel @p1 .LBB2_8-.Ltmp4, $4  }
0x171: {  	[hbm4b:s31+s3] =	stream.linear.scatter [tilespmem:s17], [sflag:$0x6], $0x4000, $0x38;
	[tilespmem:$0x12880] =	vst v63  }
0x172: {  	_ =	swait.ge [sflag:s20], $0x4000  }
0x173: {  	[sflag:s20] =	ssyncset.done $0x0  }
0x174: {  	[sflag:s20] =	ssyncadd.s32 $0xFFFFC000  }
.Ltmp5:
0x175: {  	s0 =	sadd.s32 s6, s24;
	(pc) =	sbr.rel .LBB2_2-.Ltmp5, $4  }
0x176: {  	s0 =	sshll.u32 s0, $0xB  }
0x177: {  	s0 =	sand.u32 $0x1FFFF000, s0  }
0x178: {  	s23 =	sadd.s32 $0x1, s23;
	s0 =	sadd.s32 s4, s0  }
0x179: {  	[tilespmem:s3], [sflag:$0x1] =	stream.linear.gather [hbm4b:s0+s3], $0x4000, $0x38;
	[tilespmem:$0x12880] =	vst v63  }
.LBB2_9:
0x17a: {  	_ =	sfence.sel $0x180000  }
0x17b: {  	[bflag:$0x0] =	sbarrier.arrive $0xFFFF  }
0x17c: {  	_ =	strace $0x90000047  }
0x17d: {  	[bflag:$0x2] =	sbarrier.arrive $0xFFFF  }
0x17e: {  	s0 =	rddreg [dreg:$0x4]  }
0x17f: {  	s0 =	sadd.s32 @!p0 $0x100000, s0  }
0x180: {  	[sflag:s0] =	ssyncadd.tile.s32 @!p0 $0x1;
	_ =	shalt  }
.Lfunc_end2:
_tile_overlayer_lowered:
.L_overlay_start_2:
0x181: {  	(tag) =	ssettag $0x2  }
0x182: {  	s0 =	rddreg [dreg:$0x0];
	s2 =	stileid.u32  }
0x183: {  	s1 =	rddreg [dreg:$0x1];
	p0 =	sne.s32 s2, $0x0  }
0x184: {  	s3 =	rddreg [dreg:$0x2];
	[bflag:$0x3] =	sbarrier.arrive $0xFFFF;
	s2 =	simm.s32 @!p0 $0x1C07  }
0x185: {  	[timem:s3], [sflag:s2] =	dma.local @!p0 [hbm:s0], s1  }
0x186: {  	s0 =	simm.s32 @!p0 $0x7  }
0x187: {  	_ =	swait.ge @!p0 [sflag:s0], s1  }
0x188: {  	s1 =	ssub.s32 @!p0 $0x0, s1;
	[sflag:s0] =	ssyncset.done @!p0 $0x0  }
0x189: {  	[sflag:s0] =	ssyncadd.s32 @!p0 s1  }
0x18a: {  	[bflag:$0x3] =	sbarrier.arrive $0xFFFF  }
0x18b: {  	_ =	shalt  }

</sc_bundles>
